<compile_context>
chip_gen: v7x
topology: tpu7x:2x2x1
jax: 0.10.2.dev20260603
libtpu: 0.0.44.dev20260713+nightly
codegen_flags: <defaults>
</compile_context>

<pallas_src>
import functools

import jax
import jax.numpy as jnp
from jax import lax
from jax.experimental import pallas as pl
from jax.experimental.pallas import tpu as pltpu
from jax.experimental.pallas import tpu_sc as plsc

N_LANES = 16
NC = 2
NS = 16
NW = NC * NS
BATCH = 16384
EMB = 32
B_PER_W = BATCH // NW
GROUPS = B_PER_W // N_LANES


def _sc_body(uid_hbm, mid_hbm, ut_hbm, mt_hbm, wb_hbm, out_hbm,
             uidx_v, midx_v, rows_v, wb_v, out_v, sem):
    wid = lax.axis_index("s") * NC + lax.axis_index("c")
    base = wid * B_PER_W

    pltpu.sync_copy(uid_hbm.at[pl.ds(base, B_PER_W)], uidx_v)
    pltpu.sync_copy(mid_hbm.at[pl.ds(base, B_PER_W)], midx_v)
    pltpu.sync_copy(wb_hbm, wb_v)

    wvecs = [wb_v[pl.ds(k * N_LANES, N_LANES)] for k in range(4)]
    bias = wb_v[pl.ds(4 * N_LANES, N_LANES)][0]

    def one_table(table_hbm, idx_v, wlo, whi, first):
        def fire(g, carry):
            ivec = idx_v[pl.ds(g * N_LANES, N_LANES)]
            for j in range(N_LANES):
                dst = g * N_LANES + j
                pltpu.async_copy(table_hbm.at[pl.ds(ivec[j], 1), :],
                                 rows_v.at[pl.ds(dst, 1), :], sem)
            return carry

        lax.fori_loop(0, GROUPS, fire, 0)
        pltpu.make_async_copy(table_hbm.at[pl.ds(0, B_PER_W), :],
                              rows_v, sem).wait()

        def group(g, carry):
            eidx = g * N_LANES + lax.iota(jnp.int32, N_LANES)
            if first:
                acc = jnp.full((N_LANES,), bias, jnp.float32)
            else:
                acc = out_v[pl.ds(g * N_LANES, N_LANES)]
            for d in range(EMB):
                dcol = jnp.full((N_LANES,), d, jnp.int32)
                w = wvecs[wlo + d // N_LANES][d % N_LANES]
                acc = acc + plsc.load_gather(rows_v, [eidx, dcol]) * w
            out_v[pl.ds(g * N_LANES, N_LANES)] = acc
            return carry

        lax.fori_loop(0, GROUPS, group, 0)

    one_table(ut_hbm, uidx_v, 0, 1, True)
    one_table(mt_hbm, midx_v, 2, 3, False)

    pltpu.sync_copy(out_v, out_hbm.at[pl.ds(base, B_PER_W)])


_sc_call = functools.partial(
    pl.kernel,
    mesh=plsc.VectorSubcoreMesh(core_axis_name="c", subcore_axis_name="s"),
    out_type=jax.ShapeDtypeStruct((BATCH,), jnp.float32),
    compiler_params=pltpu.CompilerParams(
        needs_layout_passes=False, use_tc_tiling_on_sc=True),
    scratch_types=[
        pltpu.VMEM((B_PER_W,), jnp.int32),
        pltpu.VMEM((B_PER_W,), jnp.int32),
        pltpu.VMEM((B_PER_W, EMB), jnp.float32),
        pltpu.VMEM((8 * N_LANES,), jnp.float32),
        pltpu.VMEM((B_PER_W,), jnp.float32),
        pltpu.SemaphoreType.DMA,
    ],
)(_sc_body)


def kernel(user_ids, movie_ids, user_table, movie_table, fc_w, fc_b):
    wb = jnp.concatenate(
        [fc_w.reshape(-1), fc_b, jnp.zeros((63,), jnp.float32)])
    return _sc_call(user_ids.astype(jnp.int32), movie_ids.astype(jnp.int32),
                    user_table, movie_table, wb)

# --- scband reference (transcript-rebuilt; emitter-appended) ---
"""Pipeline reference for scband-rec-sys-26740466385472 (READ-ONLY COPY).

The authoritative reference and input builder live on the scoring server;
editing this copy changes nothing except your own understanding.
"""

import jax, jax.numpy as jnp
import numpy as np

N_USERS = 1000000
N_MOVIES = 100000
EMB_DIM = 32
BATCH = 16384

def setup_inputs(seed: int = 0) -> dict:
    key = jax.random.key(seed)
    k1, k2, k3, k4, k5, k6 = jax.random.split(key, 6)
    user_ids = jax.random.randint(k1, (BATCH,), 0, N_USERS, dtype=jnp.int64) if jax.config.jax_enable_x64 else jax.random.randint(k1, (BATCH,), 0, N_USERS, dtype=jnp.int32)
    movie_ids = jax.random.randint(k2, (BATCH,), 0, N_MOVIES, dtype=jnp.int64) if jax.config.jax_enable_x64 else jax.random.randint(k2, (BATCH,), 0, N_MOVIES, dtype=jnp.int32)
    user_table = jax.random.normal(k3, (N_USERS + 1, EMB_DIM), dtype=jnp.float32)
    movie_table = jax.random.normal(k4, (N_MOVIES + 1, EMB_DIM), dtype=jnp.float32)
    fc_w = jax.random.normal(k5, (2 * EMB_DIM, 1), dtype=jnp.float32) * (1.0 / np.sqrt(2 * EMB_DIM))
    fc_b = jax.random.normal(k6, (1,), dtype=jnp.float32) * 0.01
    return {"user_ids": user_ids, "movie_ids": movie_ids, "user_table": user_table, "movie_table": movie_table, "fc_w": fc_w, "fc_b": fc_b}

def reference(user_ids, movie_ids, user_table, movie_table, fc_w, fc_b):
    user_emb = jnp.take(user_table, user_ids, axis=0)
    movie_emb = jnp.take(movie_table, movie_ids, axis=0)
    x = jnp.concatenate([user_emb, movie_emb], axis=1)
    out = x @ fc_w + fc_b
    return jnp.squeeze(out, axis=-1)

if __name__ == "__main__":
    import jax
    _d = setup_inputs()
    print(jax.jit(kernel)(*tuple(_d.values())))

</pallas_src>

<mosaic_0001>
#map = affine_map<(d0, d1) -> (0)>
#map1 = affine_map<(d0, d1) -> (0, 0)>
module attributes {stable_mosaic.version = 14 : i64} {
  func.func @_sc_body(%arg0: i32, %arg1: i32, %arg2: memref<16384xi32, #tpu.memory_space<hbm>>, %arg3: memref<16384xi32, #tpu.memory_space<hbm>>, %arg4: memref<1000001x32xf32, #tpu.memory_space<hbm>>, %arg5: memref<100001x32xf32, #tpu.memory_space<hbm>>, %arg6: memref<128xf32, #tpu.memory_space<hbm>>, %arg7: memref<16384xf32, #tpu.memory_space<hbm>>, %arg8: memref<512xi32, #tpu.memory_space<vmem>>, %arg9: memref<512xi32, #tpu.memory_space<vmem>>, %arg10: memref<512x32xf32, #tpu.memory_space<vmem>>, %arg11: memref<128xf32, #tpu.memory_space<vmem>>, %arg12: memref<512xf32, #tpu.memory_space<vmem>>, %arg13: memref<!tpu.dma_semaphore, #tpu.memory_space<semaphore_mem>>) attributes {dimension_semantics = [#tpu.dimension_semantics<core_parallel>, #tpu.dimension_semantics<subcore_parallel>], iteration_bounds = array<i64: 2, 16>, scalar_prefetch = 0 : i64, scratch_operands = 6 : i64, tpu.core_type = #tpu.core_type<sc_vector_subcore>, window_params = [{transform_indices = #map}, {transform_indices = #map}, {transform_indices = #map1}, {transform_indices = #map1}, {transform_indices = #map}, {transform_indices = #map}]} {
    %mul3A = arith.constant 2 : i32
    %mul3A_0 = arith.muli %arg1, %mul3A : i32
    %add3A = arith.addi %mul3A_0, %arg0 : i32
    %mul3A_1 = arith.constant 512 : i32
    %mul3A_2 = arith.muli %add3A, %mul3A_1 : i32
    "tpu.region"() ({
      %run_scoped3A = tpu.sem_alloc : memref<!tpu.dma_semaphore, #tpu.memory_space<semaphore_mem>>
      %dma_start3A = tpu.memref_slice %arg2[%mul3A_2] : memref<16384xi32, #tpu.memory_space<hbm>> -> memref<512xi32, #tpu.memory_space<hbm>>
      %dma_start3A_46 = tpu.memref_slice %arg2[%mul3A_2] : memref<16384xi32, #tpu.memory_space<hbm>> -> memref<512xi32, #tpu.memory_space<hbm>>
      tpu.enqueue_dma source(%dma_start3A_46 : memref<512xi32, #tpu.memory_space<hbm>>) target(%arg8 : memref<512xi32, #tpu.memory_space<vmem>>) target_semaphore(%run_scoped3A : memref<!tpu.dma_semaphore, #tpu.memory_space<semaphore_mem>>)
      %dma_wait3A_47 = tpu.memref_slice %arg2[%mul3A_2] : memref<16384xi32, #tpu.memory_space<hbm>> -> memref<512xi32, #tpu.memory_space<hbm>>
      %dma_wait3A_48 = tpu.memref_slice %arg2[%mul3A_2] : memref<16384xi32, #tpu.memory_space<hbm>> -> memref<512xi32, #tpu.memory_space<hbm>>
      tpu.wait_dma2 semaphore(%run_scoped3A : memref<!tpu.dma_semaphore, #tpu.memory_space<semaphore_mem>>) src(%dma_wait3A_48 : memref<512xi32, #tpu.memory_space<hbm>>) dst(%arg8 : memref<512xi32, #tpu.memory_space<vmem>>)
      tpu.yield
    }) : () -> ()
    "tpu.region"() ({
      %run_scoped3A = tpu.sem_alloc : memref<!tpu.dma_semaphore, #tpu.memory_space<semaphore_mem>>
      %dma_start3A = tpu.memref_slice %arg3[%mul3A_2] : memref<16384xi32, #tpu.memory_space<hbm>> -> memref<512xi32, #tpu.memory_space<hbm>>
      %dma_start3A_46 = tpu.memref_slice %arg3[%mul3A_2] : memref<16384xi32, #tpu.memory_space<hbm>> -> memref<512xi32, #tpu.memory_space<hbm>>
      tpu.enqueue_dma source(%dma_start3A_46 : memref<512xi32, #tpu.memory_space<hbm>>) target(%arg9 : memref<512xi32, #tpu.memory_space<vmem>>) target_semaphore(%run_scoped3A : memref<!tpu.dma_semaphore, #tpu.memory_space<semaphore_mem>>)
      %dma_wait3A_47 = tpu.memref_slice %arg3[%mul3A_2] : memref<16384xi32, #tpu.memory_space<hbm>> -> memref<512xi32, #tpu.memory_space<hbm>>
      %dma_wait3A_48 = tpu.memref_slice %arg3[%mul3A_2] : memref<16384xi32, #tpu.memory_space<hbm>> -> memref<512xi32, #tpu.memory_space<hbm>>
      tpu.wait_dma2 semaphore(%run_scoped3A : memref<!tpu.dma_semaphore, #tpu.memory_space<semaphore_mem>>) src(%dma_wait3A_48 : memref<512xi32, #tpu.memory_space<hbm>>) dst(%arg9 : memref<512xi32, #tpu.memory_space<vmem>>)
      tpu.yield
    }) : () -> ()
    "tpu.region"() ({
      %run_scoped3A = tpu.sem_alloc : memref<!tpu.dma_semaphore, #tpu.memory_space<semaphore_mem>>
      tpu.enqueue_dma source(%arg6 : memref<128xf32, #tpu.memory_space<hbm>>) target(%arg11 : memref<128xf32, #tpu.memory_space<vmem>>) target_semaphore(%run_scoped3A : memref<!tpu.dma_semaphore, #tpu.memory_space<semaphore_mem>>)
      tpu.wait_dma2 semaphore(%run_scoped3A : memref<!tpu.dma_semaphore, #tpu.memory_space<semaphore_mem>>) src(%arg6 : memref<128xf32, #tpu.memory_space<hbm>>) dst(%arg11 : memref<128xf32, #tpu.memory_space<vmem>>)
      tpu.yield
    }) : () -> ()
    %get3A = arith.constant 0 : index
    %get3A_3 = tpu.vector_load %arg11[%get3A] {strides = array<i32>} : memref<128xf32, #tpu.memory_space<vmem>>, vector<16xf32>,
    %get3A_4 = arith.constant 16 : index
    %get3A_5 = tpu.vector_load %arg11[%get3A_4] {strides = array<i32>} : memref<128xf32, #tpu.memory_space<vmem>>, vector<16xf32>,
    %get3A_6 = arith.constant 32 : index
    %get3A_7 = tpu.vector_load %arg11[%get3A_6] {strides = array<i32>} : memref<128xf32, #tpu.memory_space<vmem>>, vector<16xf32>,
    %get3A_8 = arith.constant 48 : index
    %get3A_9 = tpu.vector_load %arg11[%get3A_8] {strides = array<i32>} : memref<128xf32, #tpu.memory_space<vmem>>, vector<16xf32>,
    %get3A_10 = arith.constant 64 : index
    %get3A_11 = tpu.vector_load %arg11[%get3A_10] {strides = array<i32>} : memref<128xf32, #tpu.memory_space<vmem>>, vector<16xf32>,
    %slice3A = vector.extract_strided_slice %get3A_11 {offsets = [0], sizes = [1], strides = [1]} : vector<16xf32> to vector<1xf32>
    %squeeze3A = vector.extract %slice3A[0] : f32 from vector<1xf32>
    %scan3A = arith.constant 0 : i32
    %scan3A_12 = arith.constant 0 : i32
    %scan3A_13 = arith.constant 32 : i32
    %scan3A_14 = arith.addi %scan3A_12, %scan3A_13 : i32
    %scan3A_15 = arith.constant 1 : i32
    scf.for %scan3A_46 = %scan3A_12 to %scan3A_14 step %scan3A_15  : i32 {
      %mul3A_47 = arith.constant 16 : i32
      %mul3A_48 = arith.muli %scan3A_46, %mul3A_47 : i32
      %get3A_49 = arith.index_cast %mul3A_48 : i32 to index
      %get3A_50 = tpu.vector_load %arg8[%get3A_49] {strides = array<i32>} : memref<512xi32, #tpu.memory_space<vmem>>, vector<16xi32>,
      %mul3A_51 = arith.constant 16 : i32
      %mul3A_52 = arith.muli %scan3A_46, %mul3A_51 : i32
      %add3A_53 = arith.constant 0 : i32
      %add3A_54 = arith.addi %mul3A_52, %add3A_53 : i32
      %slice3A_55 = vector.extract_strided_slice %get3A_50 {offsets = [0], sizes = [1], strides = [1]} : vector<16xi32> to vector<1xi32>
      %squeeze3A_56 = vector.extract %slice3A_55[0] : i32 from vector<1xi32>
      %dma_start3A = arith.constant 0 : i32
      %dma_start3A_57 = tpu.memref_slice %arg10[%add3A_54, %dma_start3A] : memref<512x32xf32, #tpu.memory_space<vmem>> -> memref<1x32xf32, #tpu.memory_space<vmem>>
      %dma_start3A_58 = arith.constant 0 : i32
      %dma_start3A_59 = tpu.memref_slice %arg4[%squeeze3A_56, %dma_start3A_58] : memref<1000001x32xf32, #tpu.memory_space<hbm>> -> memref<1x32xf32, #tpu.memory_space<hbm>>
      %dma_start3A_60 = arith.constant 0 : i32
      %dma_start3A_61 = tpu.memref_slice %arg10[%add3A_54, %dma_start3A_60] : memref<512x32xf32, #tpu.memory_space<vmem>> -> memref<1x32xf32, #tpu.memory_space<vmem>>
      %dma_start3A_62 = arith.constant 0 : i32
      %dma_start3A_63 = tpu.memref_slice %arg4[%squeeze3A_56, %dma_start3A_62] : memref<1000001x32xf32, #tpu.memory_space<hbm>> -> memref<1x32xf32, #tpu.memory_space<hbm>>
      tpu.enqueue_dma source(%dma_start3A_63 : memref<1x32xf32, #tpu.memory_space<hbm>>) target(%dma_start3A_61 : memref<1x32xf32, #tpu.memory_space<vmem>>) target_semaphore(%arg13 : memref<!tpu.dma_semaphore, #tpu.memory_space<semaphore_mem>>)
      %mul3A_64 = arith.constant 16 : i32
      %mul3A_65 = arith.muli %scan3A_46, %mul3A_64 : i32
      %add3A_66 = arith.constant 1 : i32
      %add3A_67 = arith.addi %mul3A_65, %add3A_66 : i32
      %slice3A_68 = vector.extract_strided_slice %get3A_50 {offsets = [1], sizes = [1], strides = [1]} : vector<16xi32> to vector<1xi32>
      %squeeze3A_69 = vector.extract %slice3A_68[0] : i32 from vector<1xi32>
      %dma_start3A_70 = arith.constant 0 : i32
      %dma_start3A_71 = tpu.memref_slice %arg10[%add3A_67, %dma_start3A_70] : memref<512x32xf32, #tpu.memory_space<vmem>> -> memref<1x32xf32, #tpu.memory_space<vmem>>
      %dma_start3A_72 = arith.constant 0 : i32
      %dma_start3A_73 = tpu.memref_slice %arg4[%squeeze3A_69, %dma_start3A_72] : memref<1000001x32xf32, #tpu.memory_space<hbm>> -> memref<1x32xf32, #tpu.memory_space<hbm>>
      %dma_start3A_74 = arith.constant 0 : i32
      %dma_start3A_75 = tpu.memref_slice %arg10[%add3A_67, %dma_start3A_74] : memref<512x32xf32, #tpu.memory_space<vmem>> -> memref<1x32xf32, #tpu.memory_space<vmem>>
      %dma_start3A_76 = arith.constant 0 : i32
      %dma_start3A_77 = tpu.memref_slice %arg4[%squeeze3A_69, %dma_start3A_76] : memref<1000001x32xf32, #tpu.memory_space<hbm>> -> memref<1x32xf32, #tpu.memory_space<hbm>>
      tpu.enqueue_dma source(%dma_start3A_77 : memref<1x32xf32, #tpu.memory_space<hbm>>) target(%dma_start3A_75 : memref<1x32xf32, #tpu.memory_space<vmem>>) target_semaphore(%arg13 : memref<!tpu.dma_semaphore, #tpu.memory_space<semaphore_mem>>)
      %mul3A_78 = arith.constant 16 : i32
      %mul3A_79 = arith.muli %scan3A_46, %mul3A_78 : i32
      %add3A_80 = arith.constant 2 : i32
      %add3A_81 = arith.addi %mul3A_79, %add3A_80 : i32
      %slice3A_82 = vector.extract_strided_slice %get3A_50 {offsets = [2], sizes = [1], strides = [1]} : vector<16xi32> to vector<1xi32>
      %squeeze3A_83 = vector.extract %slice3A_82[0] : i32 from vector<1xi32>
      %dma_start3A_84 = arith.constant 0 : i32
      %dma_start3A_85 = tpu.memref_slice %arg10[%add3A_81, %dma_start3A_84] : memref<512x32xf32, #tpu.memory_space<vmem>> -> memref<1x32xf32, #tpu.memory_space<vmem>>
      %dma_start3A_86 = arith.constant 0 : i32
      %dma_start3A_87 = tpu.memref_slice %arg4[%squeeze3A_83, %dma_start3A_86] : memref<1000001x32xf32, #tpu.memory_space<hbm>> -> memref<1x32xf32, #tpu.memory_space<hbm>>
      %dma_start3A_88 = arith.constant 0 : i32
      %dma_start3A_89 = tpu.memref_slice %arg10[%add3A_81, %dma_start3A_88] : memref<512x32xf32, #tpu.memory_space<vmem>> -> memref<1x32xf32, #tpu.memory_space<vmem>>
      %dma_start3A_90 = arith.constant 0 : i32
      %dma_start3A_91 = tpu.memref_slice %arg4[%squeeze3A_83, %dma_start3A_90] : memref<1000001x32xf32, #tpu.memory_space<hbm>> -> memref<1x32xf32, #tpu.memory_space<hbm>>
      tpu.enqueue_dma source(%dma_start3A_91 : memref<1x32xf32, #tpu.memory_space<hbm>>) target(%dma_start3A_89 : memref<1x32xf32, #tpu.memory_space<vmem>>) target_semaphore(%arg13 : memref<!tpu.dma_semaphore, #tpu.memory_space<semaphore_mem>>)
      %mul3A_92 = arith.constant 16 : i32
      %mul3A_93 = arith.muli %scan3A_46, %mul3A_92 : i32
      %add3A_94 = arith.constant 3 : i32
      %add3A_95 = arith.addi %mul3A_93, %add3A_94 : i32
      %slice3A_96 = vector.extract_strided_slice %get3A_50 {offsets = [3], sizes = [1], strides = [1]} : vector<16xi32> to vector<1xi32>
      %squeeze3A_97 = vector.extract %slice3A_96[0] : i32 from vector<1xi32>
      %dma_start3A_98 = arith.constant 0 : i32
      %dma_start3A_99 = tpu.memref_slice %arg10[%add3A_95, %dma_start3A_98] : memref<512x32xf32, #tpu.memory_space<vmem>> -> memref<1x32xf32, #tpu.memory_space<vmem>>
      %dma_start3A_100 = arith.constant 0 : i32
      %dma_start3A_101 = tpu.memref_slice %arg4[%squeeze3A_97, %dma_start3A_100] : memref<1000001x32xf32, #tpu.memory_space<hbm>> -> memref<1x32xf32, #tpu.memory_space<hbm>>
      %dma_start3A_102 = arith.constant 0 : i32
      %dma_start3A_103 = tpu.memref_slice %arg10[%add3A_95, %dma_start3A_102] : memref<512x32xf32, #tpu.memory_space<vmem>> -> memref<1x32xf32, #tpu.memory_space<vmem>>
      %dma_start3A_104 = arith.constant 0 : i32
      %dma_start3A_105 = tpu.memref_slice %arg4[%squeeze3A_97, %dma_start3A_104] : memref<1000001x32xf32, #tpu.memory_space<hbm>> -> memref<1x32xf32, #tpu.memory_space<hbm>>
      tpu.enqueue_dma source(%dma_start3A_105 : memref<1x32xf32, #tpu.memory_space<hbm>>) target(%dma_start3A_103 : memref<1x32xf32, #tpu.memory_space<vmem>>) target_semaphore(%arg13 : memref<!tpu.dma_semaphore, #tpu.memory_space<semaphore_mem>>)
      %mul3A_106 = arith.constant 16 : i32
      %mul3A_107 = arith.muli %scan3A_46, %mul3A_106 : i32
      %add3A_108 = arith.constant 4 : i32
      %add3A_109 = arith.addi %mul3A_107, %add3A_108 : i32
      %slice3A_110 = vector.extract_strided_slice %get3A_50 {offsets = [4], sizes = [1], strides = [1]} : vector<16xi32> to vector<1xi32>
      %squeeze3A_111 = vector.extract %slice3A_110[0] : i32 from vector<1xi32>
      %dma_start3A_112 = arith.constant 0 : i32
      %dma_start3A_113 = tpu.memref_slice %arg10[%add3A_109, %dma_start3A_112] : memref<512x32xf32, #tpu.memory_space<vmem>> -> memref<1x32xf32, #tpu.memory_space<vmem>>
      %dma_start3A_114 = arith.constant 0 : i32
      %dma_start3A_115 = tpu.memref_slice %arg4[%squeeze3A_111, %dma_start3A_114] : memref<1000001x32xf32, #tpu.memory_space<hbm>> -> memref<1x32xf32, #tpu.memory_space<hbm>>
      %dma_start3A_116 = arith.constant 0 : i32
      %dma_start3A_117 = tpu.memref_slice %arg10[%add3A_109, %dma_start3A_116] : memref<512x32xf32, #tpu.memory_space<vmem>> -> memref<1x32xf32, #tpu.memory_space<vmem>>
      %dma_start3A_118 = arith.constant 0 : i32
      %dma_start3A_119 = tpu.memref_slice %arg4[%squeeze3A_111, %dma_start3A_118] : memref<1000001x32xf32, #tpu.memory_space<hbm>> -> memref<1x32xf32, #tpu.memory_space<hbm>>
      tpu.enqueue_dma source(%dma_start3A_119 : memref<1x32xf32, #tpu.memory_space<hbm>>) target(%dma_start3A_117 : memref<1x32xf32, #tpu.memory_space<vmem>>) target_semaphore(%arg13 : memref<!tpu.dma_semaphore, #tpu.memory_space<semaphore_mem>>)
      %mul3A_120 = arith.constant 16 : i32
      %mul3A_121 = arith.muli %scan3A_46, %mul3A_120 : i32
      %add3A_122 = arith.constant 5 : i32
      %add3A_123 = arith.addi %mul3A_121, %add3A_122 : i32
      %slice3A_124 = vector.extract_strided_slice %get3A_50 {offsets = [5], sizes = [1], strides = [1]} : vector<16xi32> to vector<1xi32>
      %squeeze3A_125 = vector.extract %slice3A_124[0] : i32 from vector<1xi32>
      %dma_start3A_126 = arith.constant 0 : i32
      %dma_start3A_127 = tpu.memref_slice %arg10[%add3A_123, %dma_start3A_126] : memref<512x32xf32, #tpu.memory_space<vmem>> -> memref<1x32xf32, #tpu.memory_space<vmem>>
      %dma_start3A_128 = arith.constant 0 : i32
      %dma_start3A_129 = tpu.memref_slice %arg4[%squeeze3A_125, %dma_start3A_128] : memref<1000001x32xf32, #tpu.memory_space<hbm>> -> memref<1x32xf32, #tpu.memory_space<hbm>>
      %dma_start3A_130 = arith.constant 0 : i32
      %dma_start3A_131 = tpu.memref_slice %arg10[%add3A_123, %dma_start3A_130] : memref<512x32xf32, #tpu.memory_space<vmem>> -> memref<1x32xf32, #tpu.memory_space<vmem>>
      %dma_start3A_132 = arith.constant 0 : i32
      %dma_start3A_133 = tpu.memref_slice %arg4[%squeeze3A_125, %dma_start3A_132] : memref<1000001x32xf32, #tpu.memory_space<hbm>> -> memref<1x32xf32, #tpu.memory_space<hbm>>
      tpu.enqueue_dma source(%dma_start3A_133 : memref<1x32xf32, #tpu.memory_space<hbm>>) target(%dma_start3A_131 : memref<1x32xf32, #tpu.memory_space<vmem>>) target_semaphore(%arg13 : memref<!tpu.dma_semaphore, #tpu.memory_space<semaphore_mem>>)
      %mul3A_134 = arith.constant 16 : i32
      %mul3A_135 = arith.muli %scan3A_46, %mul3A_134 : i32
      %add3A_136 = arith.constant 6 : i32
      %add3A_137 = arith.addi %mul3A_135, %add3A_136 : i32
      %slice3A_138 = vector.extract_strided_slice %get3A_50 {offsets = [6], sizes = [1], strides = [1]} : vector<16xi32> to vector<1xi32>
      %squeeze3A_139 = vector.extract %slice3A_138[0] : i32 from vector<1xi32>
      %dma_start3A_140 = arith.constant 0 : i32
      %dma_start3A_141 = tpu.memref_slice %arg10[%add3A_137, %dma_start3A_140] : memref<512x32xf32, #tpu.memory_space<vmem>> -> memref<1x32xf32, #tpu.memory_space<vmem>>
      %dma_start3A_142 = arith.constant 0 : i32
      %dma_start3A_143 = tpu.memref_slice %arg4[%squeeze3A_139, %dma_start3A_142] : memref<1000001x32xf32, #tpu.memory_space<hbm>> -> memref<1x32xf32, #tpu.memory_space<hbm>>
      %dma_start3A_144 = arith.constant 0 : i32
      %dma_start3A_145 = tpu.memref_slice %arg10[%add3A_137, %dma_start3A_144] : memref<512x32xf32, #tpu.memory_space<vmem>> -> memref<1x32xf32, #tpu.memory_space<vmem>>
      %dma_start3A_146 = arith.constant 0 : i32
      %dma_start3A_147 = tpu.memref_slice %arg4[%squeeze3A_139, %dma_start3A_146] : memref<1000001x32xf32, #tpu.memory_space<hbm>> -> memref<1x32xf32, #tpu.memory_space<hbm>>
      tpu.enqueue_dma source(%dma_start3A_147 : memref<1x32xf32, #tpu.memory_space<hbm>>) target(%dma_start3A_145 : memref<1x32xf32, #tpu.memory_space<vmem>>) target_semaphore(%arg13 : memref<!tpu.dma_semaphore, #tpu.memory_space<semaphore_mem>>)
      %mul3A_148 = arith.constant 16 : i32
      %mul3A_149 = arith.muli %scan3A_46, %mul3A_148 : i32
      %add3A_150 = arith.constant 7 : i32
      %add3A_151 = arith.addi %mul3A_149, %add3A_150 : i32
      %slice3A_152 = vector.extract_strided_slice %get3A_50 {offsets = [7], sizes = [1], strides = [1]} : vector<16xi32> to vector<1xi32>
      %squeeze3A_153 = vector.extract %slice3A_152[0] : i32 from vector<1xi32>
      %dma_start3A_154 = arith.constant 0 : i32
      %dma_start3A_155 = tpu.memref_slice %arg10[%add3A_151, %dma_start3A_154] : memref<512x32xf32, #tpu.memory_space<vmem>> -> memref<1x32xf32, #tpu.memory_space<vmem>>
      %dma_start3A_156 = arith.constant 0 : i32
      %dma_start3A_157 = tpu.memref_slice %arg4[%squeeze3A_153, %dma_start3A_156] : memref<1000001x32xf32, #tpu.memory_space<hbm>> -> memref<1x32xf32, #tpu.memory_space<hbm>>
      %dma_start3A_158 = arith.constant 0 : i32
      %dma_start3A_159 = tpu.memref_slice %arg10[%add3A_151, %dma_start3A_158] : memref<512x32xf32, #tpu.memory_space<vmem>> -> memref<1x32xf32, #tpu.memory_space<vmem>>
      %dma_start3A_160 = arith.constant 0 : i32
      %dma_start3A_161 = tpu.memref_slice %arg4[%squeeze3A_153, %dma_start3A_160] : memref<1000001x32xf32, #tpu.memory_space<hbm>> -> memref<1x32xf32, #tpu.memory_space<hbm>>
      tpu.enqueue_dma source(%dma_start3A_161 : memref<1x32xf32, #tpu.memory_space<hbm>>) target(%dma_start3A_159 : memref<1x32xf32, #tpu.memory_space<vmem>>) target_semaphore(%arg13 : memref<!tpu.dma_semaphore, #tpu.memory_space<semaphore_mem>>)
      %mul3A_162 = arith.constant 16 : i32
      %mul3A_163 = arith.muli %scan3A_46, %mul3A_162 : i32
      %add3A_164 = arith.constant 8 : i32
      %add3A_165 = arith.addi %mul3A_163, %add3A_164 : i32
      %slice3A_166 = vector.extract_strided_slice %get3A_50 {offsets = [8], sizes = [1], strides = [1]} : vector<16xi32> to vector<1xi32>
      %squeeze3A_167 = vector.extract %slice3A_166[0] : i32 from vector<1xi32>
      %dma_start3A_168 = arith.constant 0 : i32
      %dma_start3A_169 = tpu.memref_slice %arg10[%add3A_165, %dma_start3A_168] : memref<512x32xf32, #tpu.memory_space<vmem>> -> memref<1x32xf32, #tpu.memory_space<vmem>>
      %dma_start3A_170 = arith.constant 0 : i32
      %dma_start3A_171 = tpu.memref_slice %arg4[%squeeze3A_167, %dma_start3A_170] : memref<1000001x32xf32, #tpu.memory_space<hbm>> -> memref<1x32xf32, #tpu.memory_space<hbm>>
      %dma_start3A_172 = arith.constant 0 : i32
      %dma_start3A_173 = tpu.memref_slice %arg10[%add3A_165, %dma_start3A_172] : memref<512x32xf32, #tpu.memory_space<vmem>> -> memref<1x32xf32, #tpu.memory_space<vmem>>
      %dma_start3A_174 = arith.constant 0 : i32
      %dma_start3A_175 = tpu.memref_slice %arg4[%squeeze3A_167, %dma_start3A_174] : memref<1000001x32xf32, #tpu.memory_space<hbm>> -> memref<1x32xf32, #tpu.memory_space<hbm>>
      tpu.enqueue_dma source(%dma_start3A_175 : memref<1x32xf32, #tpu.memory_space<hbm>>) target(%dma_start3A_173 : memref<1x32xf32, #tpu.memory_space<vmem>>) target_semaphore(%arg13 : memref<!tpu.dma_semaphore, #tpu.memory_space<semaphore_mem>>)
      %mul3A_176 = arith.constant 16 : i32
      %mul3A_177 = arith.muli %scan3A_46, %mul3A_176 : i32
      %add3A_178 = arith.constant 9 : i32
      %add3A_179 = arith.addi %mul3A_177, %add3A_178 : i32
      %slice3A_180 = vector.extract_strided_slice %get3A_50 {offsets = [9], sizes = [1], strides = [1]} : vector<16xi32> to vector<1xi32>
      %squeeze3A_181 = vector.extract %slice3A_180[0] : i32 from vector<1xi32>
      %dma_start3A_182 = arith.constant 0 : i32
      %dma_start3A_183 = tpu.memref_slice %arg10[%add3A_179, %dma_start3A_182] : memref<512x32xf32, #tpu.memory_space<vmem>> -> memref<1x32xf32, #tpu.memory_space<vmem>>
      %dma_start3A_184 = arith.constant 0 : i32
      %dma_start3A_185 = tpu.memref_slice %arg4[%squeeze3A_181, %dma_start3A_184] : memref<1000001x32xf32, #tpu.memory_space<hbm>> -> memref<1x32xf32, #tpu.memory_space<hbm>>
      %dma_start3A_186 = arith.constant 0 : i32
      %dma_start3A_187 = tpu.memref_slice %arg10[%add3A_179, %dma_start3A_186] : memref<512x32xf32, #tpu.memory_space<vmem>> -> memref<1x32xf32, #tpu.memory_space<vmem>>
      %dma_start3A_188 = arith.constant 0 : i32
      %dma_start3A_189 = tpu.memref_slice %arg4[%squeeze3A_181, %dma_start3A_188] : memref<1000001x32xf32, #tpu.memory_space<hbm>> -> memref<1x32xf32, #tpu.memory_space<hbm>>
      tpu.enqueue_dma source(%dma_start3A_189 : memref<1x32xf32, #tpu.memory_space<hbm>>) target(%dma_start3A_187 : memref<1x32xf32, #tpu.memory_space<vmem>>) target_semaphore(%arg13 : memref<!tpu.dma_semaphore, #tpu.memory_space<semaphore_mem>>)
      %mul3A_190 = arith.constant 16 : i32
      %mul3A_191 = arith.muli %scan3A_46, %mul3A_190 : i32
      %add3A_192 = arith.constant 10 : i32
      %add3A_193 = arith.addi %mul3A_191, %add3A_192 : i32
      %slice3A_194 = vector.extract_strided_slice %get3A_50 {offsets = [10], sizes = [1], strides = [1]} : vector<16xi32> to vector<1xi32>
      %squeeze3A_195 = vector.extract %slice3A_194[0] : i32 from vector<1xi32>
      %dma_start3A_196 = arith.constant 0 : i32
      %dma_start3A_197 = tpu.memref_slice %arg10[%add3A_193, %dma_start3A_196] : memref<512x32xf32, #tpu.memory_space<vmem>> -> memref<1x32xf32, #tpu.memory_space<vmem>>
      %dma_start3A_198 = arith.constant 0 : i32
      %dma_start3A_199 = tpu.memref_slice %arg4[%squeeze3A_195, %dma_start3A_198] : memref<1000001x32xf32, #tpu.memory_space<hbm>> -> memref<1x32xf32, #tpu.memory_space<hbm>>
      %dma_start3A_200 = arith.constant 0 : i32
      %dma_start3A_201 = tpu.memref_slice %arg10[%add3A_193, %dma_start3A_200] : memref<512x32xf32, #tpu.memory_space<vmem>> -> memref<1x32xf32, #tpu.memory_space<vmem>>
      %dma_start3A_202 = arith.constant 0 : i32
      %dma_start3A_203 = tpu.memref_slice %arg4[%squeeze3A_195, %dma_start3A_202] : memref<1000001x32xf32, #tpu.memory_space<hbm>> -> memref<1x32xf32, #tpu.memory_space<hbm>>
      tpu.enqueue_dma source(%dma_start3A_203 : memref<1x32xf32, #tpu.memory_space<hbm>>) target(%dma_start3A_201 : memref<1x32xf32, #tpu.memory_space<vmem>>) target_semaphore(%arg13 : memref<!tpu.dma_semaphore, #tpu.memory_space<semaphore_mem>>)
      %mul3A_204 = arith.constant 16 : i32
      %mul3A_205 = arith.muli %scan3A_46, %mul3A_204 : i32
      %add3A_206 = arith.constant 11 : i32
      %add3A_207 = arith.addi %mul3A_205, %add3A_206 : i32
      %slice3A_208 = vector.extract_strided_slice %get3A_50 {offsets = [11], sizes = [1], strides = [1]} : vector<16xi32> to vector<1xi32>
      %squeeze3A_209 = vector.extract %slice3A_208[0] : i32 from vector<1xi32>
      %dma_start3A_210 = arith.constant 0 : i32
      %dma_start3A_211 = tpu.memref_slice %arg10[%add3A_207, %dma_start3A_210] : memref<512x32xf32, #tpu.memory_space<vmem>> -> memref<1x32xf32, #tpu.memory_space<vmem>>
      %dma_start3A_212 = arith.constant 0 : i32
      %dma_start3A_213 = tpu.memref_slice %arg4[%squeeze3A_209, %dma_start3A_212] : memref<1000001x32xf32, #tpu.memory_space<hbm>> -> memref<1x32xf32, #tpu.memory_space<hbm>>
      %dma_start3A_214 = arith.constant 0 : i32
      %dma_start3A_215 = tpu.memref_slice %arg10[%add3A_207, %dma_start3A_214] : memref<512x32xf32, #tpu.memory_space<vmem>> -> memref<1x32xf32, #tpu.memory_space<vmem>>
      %dma_start3A_216 = arith.constant 0 : i32
      %dma_start3A_217 = tpu.memref_slice %arg4[%squeeze3A_209, %dma_start3A_216] : memref<1000001x32xf32, #tpu.memory_space<hbm>> -> memref<1x32xf32, #tpu.memory_space<hbm>>
      tpu.enqueue_dma source(%dma_start3A_217 : memref<1x32xf32, #tpu.memory_space<hbm>>) target(%dma_start3A_215 : memref<1x32xf32, #tpu.memory_space<vmem>>) target_semaphore(%arg13 : memref<!tpu.dma_semaphore, #tpu.memory_space<semaphore_mem>>)
      %mul3A_218 = arith.constant 16 : i32
      %mul3A_219 = arith.muli %scan3A_46, %mul3A_218 : i32
      %add3A_220 = arith.constant 12 : i32
      %add3A_221 = arith.addi %mul3A_219, %add3A_220 : i32
      %slice3A_222 = vector.extract_strided_slice %get3A_50 {offsets = [12], sizes = [1], strides = [1]} : vector<16xi32> to vector<1xi32>
      %squeeze3A_223 = vector.extract %slice3A_222[0] : i32 from vector<1xi32>
      %dma_start3A_224 = arith.constant 0 : i32
      %dma_start3A_225 = tpu.memref_slice %arg10[%add3A_221, %dma_start3A_224] : memref<512x32xf32, #tpu.memory_space<vmem>> -> memref<1x32xf32, #tpu.memory_space<vmem>>
      %dma_start3A_226 = arith.constant 0 : i32
      %dma_start3A_227 = tpu.memref_slice %arg4[%squeeze3A_223, %dma_start3A_226] : memref<1000001x32xf32, #tpu.memory_space<hbm>> -> memref<1x32xf32, #tpu.memory_space<hbm>>
      %dma_start3A_228 = arith.constant 0 : i32
      %dma_start3A_229 = tpu.memref_slice %arg10[%add3A_221, %dma_start3A_228] : memref<512x32xf32, #tpu.memory_space<vmem>> -> memref<1x32xf32, #tpu.memory_space<vmem>>
      %dma_start3A_230 = arith.constant 0 : i32
      %dma_start3A_231 = tpu.memref_slice %arg4[%squeeze3A_223, %dma_start3A_230] : memref<1000001x32xf32, #tpu.memory_space<hbm>> -> memref<1x32xf32, #tpu.memory_space<hbm>>
      tpu.enqueue_dma source(%dma_start3A_231 : memref<1x32xf32, #tpu.memory_space<hbm>>) target(%dma_start3A_229 : memref<1x32xf32, #tpu.memory_space<vmem>>) target_semaphore(%arg13 : memref<!tpu.dma_semaphore, #tpu.memory_space<semaphore_mem>>)
      %mul3A_232 = arith.constant 16 : i32
      %mul3A_233 = arith.muli %scan3A_46, %mul3A_232 : i32
      %add3A_234 = arith.constant 13 : i32
      %add3A_235 = arith.addi %mul3A_233, %add3A_234 : i32
      %slice3A_236 = vector.extract_strided_slice %get3A_50 {offsets = [13], sizes = [1], strides = [1]} : vector<16xi32> to vector<1xi32>
      %squeeze3A_237 = vector.extract %slice3A_236[0] : i32 from vector<1xi32>
      %dma_start3A_238 = arith.constant 0 : i32
      %dma_start3A_239 = tpu.memref_slice %arg10[%add3A_235, %dma_start3A_238] : memref<512x32xf32, #tpu.memory_space<vmem>> -> memref<1x32xf32, #tpu.memory_space<vmem>>
      %dma_start3A_240 = arith.constant 0 : i32
      %dma_start3A_241 = tpu.memref_slice %arg4[%squeeze3A_237, %dma_start3A_240] : memref<1000001x32xf32, #tpu.memory_space<hbm>> -> memref<1x32xf32, #tpu.memory_space<hbm>>
      %dma_start3A_242 = arith.constant 0 : i32
      %dma_start3A_243 = tpu.memref_slice %arg10[%add3A_235, %dma_start3A_242] : memref<512x32xf32, #tpu.memory_space<vmem>> -> memref<1x32xf32, #tpu.memory_space<vmem>>
      %dma_start3A_244 = arith.constant 0 : i32
      %dma_start3A_245 = tpu.memref_slice %arg4[%squeeze3A_237, %dma_start3A_244] : memref<1000001x32xf32, #tpu.memory_space<hbm>> -> memref<1x32xf32, #tpu.memory_space<hbm>>
      tpu.enqueue_dma source(%dma_start3A_245 : memref<1x32xf32, #tpu.memory_space<hbm>>) target(%dma_start3A_243 : memref<1x32xf32, #tpu.memory_space<vmem>>) target_semaphore(%arg13 : memref<!tpu.dma_semaphore, #tpu.memory_space<semaphore_mem>>)
      %mul3A_246 = arith.constant 16 : i32
      %mul3A_247 = arith.muli %scan3A_46, %mul3A_246 : i32
      %add3A_248 = arith.constant 14 : i32
      %add3A_249 = arith.addi %mul3A_247, %add3A_248 : i32
      %slice3A_250 = vector.extract_strided_slice %get3A_50 {offsets = [14], sizes = [1], strides = [1]} : vector<16xi32> to vector<1xi32>
      %squeeze3A_251 = vector.extract %slice3A_250[0] : i32 from vector<1xi32>
      %dma_start3A_252 = arith.constant 0 : i32
      %dma_start3A_253 = tpu.memref_slice %arg10[%add3A_249, %dma_start3A_252] : memref<512x32xf32, #tpu.memory_space<vmem>> -> memref<1x32xf32, #tpu.memory_space<vmem>>
      %dma_start3A_254 = arith.constant 0 : i32
      %dma_start3A_255 = tpu.memref_slice %arg4[%squeeze3A_251, %dma_start3A_254] : memref<1000001x32xf32, #tpu.memory_space<hbm>> -> memref<1x32xf32, #tpu.memory_space<hbm>>
      %dma_start3A_256 = arith.constant 0 : i32
      %dma_start3A_257 = tpu.memref_slice %arg10[%add3A_249, %dma_start3A_256] : memref<512x32xf32, #tpu.memory_space<vmem>> -> memref<1x32xf32, #tpu.memory_space<vmem>>
      %dma_start3A_258 = arith.constant 0 : i32
      %dma_start3A_259 = tpu.memref_slice %arg4[%squeeze3A_251, %dma_start3A_258] : memref<1000001x32xf32, #tpu.memory_space<hbm>> -> memref<1x32xf32, #tpu.memory_space<hbm>>
      tpu.enqueue_dma source(%dma_start3A_259 : memref<1x32xf32, #tpu.memory_space<hbm>>) target(%dma_start3A_257 : memref<1x32xf32, #tpu.memory_space<vmem>>) target_semaphore(%arg13 : memref<!tpu.dma_semaphore, #tpu.memory_space<semaphore_mem>>)
      %mul3A_260 = arith.constant 16 : i32
      %mul3A_261 = arith.muli %scan3A_46, %mul3A_260 : i32
      %add3A_262 = arith.constant 15 : i32
      %add3A_263 = arith.addi %mul3A_261, %add3A_262 : i32
      %slice3A_264 = vector.extract_strided_slice %get3A_50 {offsets = [15], sizes = [1], strides = [1]} : vector<16xi32> to vector<1xi32>
      %squeeze3A_265 = vector.extract %slice3A_264[0] : i32 from vector<1xi32>
      %dma_start3A_266 = arith.constant 0 : i32
      %dma_start3A_267 = tpu.memref_slice %arg10[%add3A_263, %dma_start3A_266] : memref<512x32xf32, #tpu.memory_space<vmem>> -> memref<1x32xf32, #tpu.memory_space<vmem>>
      %dma_start3A_268 = arith.constant 0 : i32
      %dma_start3A_269 = tpu.memref_slice %arg4[%squeeze3A_265, %dma_start3A_268] : memref<1000001x32xf32, #tpu.memory_space<hbm>> -> memref<1x32xf32, #tpu.memory_space<hbm>>
      %dma_start3A_270 = arith.constant 0 : i32
      %dma_start3A_271 = tpu.memref_slice %arg10[%add3A_263, %dma_start3A_270] : memref<512x32xf32, #tpu.memory_space<vmem>> -> memref<1x32xf32, #tpu.memory_space<vmem>>
      %dma_start3A_272 = arith.constant 0 : i32
      %dma_start3A_273 = tpu.memref_slice %arg4[%squeeze3A_265, %dma_start3A_272] : memref<1000001x32xf32, #tpu.memory_space<hbm>> -> memref<1x32xf32, #tpu.memory_space<hbm>>
      tpu.enqueue_dma source(%dma_start3A_273 : memref<1x32xf32, #tpu.memory_space<hbm>>) target(%dma_start3A_271 : memref<1x32xf32, #tpu.memory_space<vmem>>) target_semaphore(%arg13 : memref<!tpu.dma_semaphore, #tpu.memory_space<semaphore_mem>>)
    }
    %scan3A_16 = arith.constant 32 : i32
    %dma_wait3A = arith.constant 0 : i32
    %dma_wait3A_17 = arith.constant 0 : i32
    %dma_wait3A_18 = tpu.memref_slice %arg4[%dma_wait3A, %dma_wait3A_17] : memref<1000001x32xf32, #tpu.memory_space<hbm>> -> memref<512x32xf32, #tpu.memory_space<hbm>>
    %dma_wait3A_19 = arith.constant 0 : i32
    %dma_wait3A_20 = arith.constant 0 : i32
    %dma_wait3A_21 = tpu.memref_slice %arg4[%dma_wait3A_19, %dma_wait3A_20] : memref<1000001x32xf32, #tpu.memory_space<hbm>> -> memref<512x32xf32, #tpu.memory_space<hbm>>
    tpu.wait_dma2 semaphore(%arg13 : memref<!tpu.dma_semaphore, #tpu.memory_space<semaphore_mem>>) src(%dma_wait3A_21 : memref<512x32xf32, #tpu.memory_space<hbm>>) dst(%arg10 : memref<512x32xf32, #tpu.memory_space<vmem>>)
    %scan3A_22 = arith.constant 0 : i32
    %scan3A_23 = arith.constant 0 : i32
    %scan3A_24 = arith.constant 32 : i32
    %scan3A_25 = arith.addi %scan3A_23, %scan3A_24 : i32
    %scan3A_26 = arith.constant 1 : i32
    scf.for %scan3A_46 = %scan3A_23 to %scan3A_25 step %scan3A_26  : i32 {
      %mul3A_47 = arith.constant 16 : i32
      %mul3A_48 = arith.muli %scan3A_46, %mul3A_47 : i32
      %iota3A = tpu.iota {dimensions = array<i32: 0>} : vector<16xi32>
      %add3A_49 = vector.broadcast %mul3A_48 : i32 to vector<16xi32>
      %add3A_50 = arith.addi %add3A_49, %iota3A : vector<16xi32>
      %broadcast_in_dim3A = vector.broadcast %squeeze3A : f32 to vector<16xf32>
      %broadcast_in_dim3A_51 = arith.constant 0 : i32
      %broadcast_in_dim3A_52 = vector.broadcast %broadcast_in_dim3A_51 : i32 to vector<16xi32>
      %slice3A_53 = vector.extract_strided_slice %get3A_3 {offsets = [0], sizes = [1], strides = [1]} : vector<16xf32> to vector<1xf32>
      %squeeze3A_54 = vector.extract %slice3A_53[0] : f32 from vector<1xf32>
      %gather3A = tpu.vector_load_idx %arg10[%add3A_50, %broadcast_in_dim3A_52] : memref<512x32xf32, #tpu.memory_space<vmem>>[vector<16xi32>, vector<16xi32>], vector<16xf32>,
      %mul3A_55 = vector.broadcast %squeeze3A_54 : f32 to vector<16xf32>
      %mul3A_56 = arith.mulf %gather3A, %mul3A_55 : vector<16xf32>
      %add3A_57 = arith.addf %broadcast_in_dim3A, %mul3A_56 : vector<16xf32>
      %broadcast_in_dim3A_58 = arith.constant 1 : i32
      %broadcast_in_dim3A_59 = vector.broadcast %broadcast_in_dim3A_58 : i32 to vector<16xi32>
      %slice3A_60 = vector.extract_strided_slice %get3A_3 {offsets = [1], sizes = [1], strides = [1]} : vector<16xf32> to vector<1xf32>
      %squeeze3A_61 = vector.extract %slice3A_60[0] : f32 from vector<1xf32>
      %gather3A_62 = tpu.vector_load_idx %arg10[%add3A_50, %broadcast_in_dim3A_59] : memref<512x32xf32, #tpu.memory_space<vmem>>[vector<16xi32>, vector<16xi32>], vector<16xf32>,
      %mul3A_63 = vector.broadcast %squeeze3A_61 : f32 to vector<16xf32>
      %mul3A_64 = arith.mulf %gather3A_62, %mul3A_63 : vector<16xf32>
      %add3A_65 = arith.addf %add3A_57, %mul3A_64 : vector<16xf32>
      %broadcast_in_dim3A_66 = arith.constant 2 : i32
      %broadcast_in_dim3A_67 = vector.broadcast %broadcast_in_dim3A_66 : i32 to vector<16xi32>
      %slice3A_68 = vector.extract_strided_slice %get3A_3 {offsets = [2], sizes = [1], strides = [1]} : vector<16xf32> to vector<1xf32>
      %squeeze3A_69 = vector.extract %slice3A_68[0] : f32 from vector<1xf32>
      %gather3A_70 = tpu.vector_load_idx %arg10[%add3A_50, %broadcast_in_dim3A_67] : memref<512x32xf32, #tpu.memory_space<vmem>>[vector<16xi32>, vector<16xi32>], vector<16xf32>,
      %mul3A_71 = vector.broadcast %squeeze3A_69 : f32 to vector<16xf32>
      %mul3A_72 = arith.mulf %gather3A_70, %mul3A_71 : vector<16xf32>
      %add3A_73 = arith.addf %add3A_65, %mul3A_72 : vector<16xf32>
      %broadcast_in_dim3A_74 = arith.constant 3 : i32
      %broadcast_in_dim3A_75 = vector.broadcast %broadcast_in_dim3A_74 : i32 to vector<16xi32>
      %slice3A_76 = vector.extract_strided_slice %get3A_3 {offsets = [3], sizes = [1], strides = [1]} : vector<16xf32> to vector<1xf32>
      %squeeze3A_77 = vector.extract %slice3A_76[0] : f32 from vector<1xf32>
      %gather3A_78 = tpu.vector_load_idx %arg10[%add3A_50, %broadcast_in_dim3A_75] : memref<512x32xf32, #tpu.memory_space<vmem>>[vector<16xi32>, vector<16xi32>], vector<16xf32>,
      %mul3A_79 = vector.broadcast %squeeze3A_77 : f32 to vector<16xf32>
      %mul3A_80 = arith.mulf %gather3A_78, %mul3A_79 : vector<16xf32>
      %add3A_81 = arith.addf %add3A_73, %mul3A_80 : vector<16xf32>
      %broadcast_in_dim3A_82 = arith.constant 4 : i32
      %broadcast_in_dim3A_83 = vector.broadcast %broadcast_in_dim3A_82 : i32 to vector<16xi32>
      %slice3A_84 = vector.extract_strided_slice %get3A_3 {offsets = [4], sizes = [1], strides = [1]} : vector<16xf32> to vector<1xf32>
      %squeeze3A_85 = vector.extract %slice3A_84[0] : f32 from vector<1xf32>
      %gather3A_86 = tpu.vector_load_idx %arg10[%add3A_50, %broadcast_in_dim3A_83] : memref<512x32xf32, #tpu.memory_space<vmem>>[vector<16xi32>, vector<16xi32>], vector<16xf32>,
      %mul3A_87 = vector.broadcast %squeeze3A_85 : f32 to vector<16xf32>
      %mul3A_88 = arith.mulf %gather3A_86, %mul3A_87 : vector<16xf32>
      %add3A_89 = arith.addf %add3A_81, %mul3A_88 : vector<16xf32>
      %broadcast_in_dim3A_90 = arith.constant 5 : i32
      %broadcast_in_dim3A_91 = vector.broadcast %broadcast_in_dim3A_90 : i32 to vector<16xi32>
      %slice3A_92 = vector.extract_strided_slice %get3A_3 {offsets = [5], sizes = [1], strides = [1]} : vector<16xf32> to vector<1xf32>
      %squeeze3A_93 = vector.extract %slice3A_92[0] : f32 from vector<1xf32>
      %gather3A_94 = tpu.vector_load_idx %arg10[%add3A_50, %broadcast_in_dim3A_91] : memref<512x32xf32, #tpu.memory_space<vmem>>[vector<16xi32>, vector<16xi32>], vector<16xf32>,
      %mul3A_95 = vector.broadcast %squeeze3A_93 : f32 to vector<16xf32>
      %mul3A_96 = arith.mulf %gather3A_94, %mul3A_95 : vector<16xf32>
      %add3A_97 = arith.addf %add3A_89, %mul3A_96 : vector<16xf32>
      %broadcast_in_dim3A_98 = arith.constant 6 : i32
      %broadcast_in_dim3A_99 = vector.broadcast %broadcast_in_dim3A_98 : i32 to vector<16xi32>
      %slice3A_100 = vector.extract_strided_slice %get3A_3 {offsets = [6], sizes = [1], strides = [1]} : vector<16xf32> to vector<1xf32>
      %squeeze3A_101 = vector.extract %slice3A_100[0] : f32 from vector<1xf32>
      %gather3A_102 = tpu.vector_load_idx %arg10[%add3A_50, %broadcast_in_dim3A_99] : memref<512x32xf32, #tpu.memory_space<vmem>>[vector<16xi32>, vector<16xi32>], vector<16xf32>,
      %mul3A_103 = vector.broadcast %squeeze3A_101 : f32 to vector<16xf32>
      %mul3A_104 = arith.mulf %gather3A_102, %mul3A_103 : vector<16xf32>
      %add3A_105 = arith.addf %add3A_97, %mul3A_104 : vector<16xf32>
      %broadcast_in_dim3A_106 = arith.constant 7 : i32
      %broadcast_in_dim3A_107 = vector.broadcast %broadcast_in_dim3A_106 : i32 to vector<16xi32>
      %slice3A_108 = vector.extract_strided_slice %get3A_3 {offsets = [7], sizes = [1], strides = [1]} : vector<16xf32> to vector<1xf32>
      %squeeze3A_109 = vector.extract %slice3A_108[0] : f32 from vector<1xf32>
      %gather3A_110 = tpu.vector_load_idx %arg10[%add3A_50, %broadcast_in_dim3A_107] : memref<512x32xf32, #tpu.memory_space<vmem>>[vector<16xi32>, vector<16xi32>], vector<16xf32>,
      %mul3A_111 = vector.broadcast %squeeze3A_109 : f32 to vector<16xf32>
      %mul3A_112 = arith.mulf %gather3A_110, %mul3A_111 : vector<16xf32>
      %add3A_113 = arith.addf %add3A_105, %mul3A_112 : vector<16xf32>
      %broadcast_in_dim3A_114 = arith.constant 8 : i32
      %broadcast_in_dim3A_115 = vector.broadcast %broadcast_in_dim3A_114 : i32 to vector<16xi32>
      %slice3A_116 = vector.extract_strided_slice %get3A_3 {offsets = [8], sizes = [1], strides = [1]} : vector<16xf32> to vector<1xf32>
      %squeeze3A_117 = vector.extract %slice3A_116[0] : f32 from vector<1xf32>
      %gather3A_118 = tpu.vector_load_idx %arg10[%add3A_50, %broadcast_in_dim3A_115] : memref<512x32xf32, #tpu.memory_space<vmem>>[vector<16xi32>, vector<16xi32>], vector<16xf32>,
      %mul3A_119 = vector.broadcast %squeeze3A_117 : f32 to vector<16xf32>
      %mul3A_120 = arith.mulf %gather3A_118, %mul3A_119 : vector<16xf32>
      %add3A_121 = arith.addf %add3A_113, %mul3A_120 : vector<16xf32>
      %broadcast_in_dim3A_122 = arith.constant 9 : i32
      %broadcast_in_dim3A_123 = vector.broadcast %broadcast_in_dim3A_122 : i32 to vector<16xi32>
      %slice3A_124 = vector.extract_strided_slice %get3A_3 {offsets = [9], sizes = [1], strides = [1]} : vector<16xf32> to vector<1xf32>
      %squeeze3A_125 = vector.extract %slice3A_124[0] : f32 from vector<1xf32>
      %gather3A_126 = tpu.vector_load_idx %arg10[%add3A_50, %broadcast_in_dim3A_123] : memref<512x32xf32, #tpu.memory_space<vmem>>[vector<16xi32>, vector<16xi32>], vector<16xf32>,
      %mul3A_127 = vector.broadcast %squeeze3A_125 : f32 to vector<16xf32>
      %mul3A_128 = arith.mulf %gather3A_126, %mul3A_127 : vector<16xf32>
      %add3A_129 = arith.addf %add3A_121, %mul3A_128 : vector<16xf32>
      %broadcast_in_dim3A_130 = arith.constant 10 : i32
      %broadcast_in_dim3A_131 = vector.broadcast %broadcast_in_dim3A_130 : i32 to vector<16xi32>
      %slice3A_132 = vector.extract_strided_slice %get3A_3 {offsets = [10], sizes = [1], strides = [1]} : vector<16xf32> to vector<1xf32>
      %squeeze3A_133 = vector.extract %slice3A_132[0] : f32 from vector<1xf32>
      %gather3A_134 = tpu.vector_load_idx %arg10[%add3A_50, %broadcast_in_dim3A_131] : memref<512x32xf32, #tpu.memory_space<vmem>>[vector<16xi32>, vector<16xi32>], vector<16xf32>,
      %mul3A_135 = vector.broadcast %squeeze3A_133 : f32 to vector<16xf32>
      %mul3A_136 = arith.mulf %gather3A_134, %mul3A_135 : vector<16xf32>
      %add3A_137 = arith.addf %add3A_129, %mul3A_136 : vector<16xf32>
      %broadcast_in_dim3A_138 = arith.constant 11 : i32
      %broadcast_in_dim3A_139 = vector.broadcast %broadcast_in_dim3A_138 : i32 to vector<16xi32>
      %slice3A_140 = vector.extract_strided_slice %get3A_3 {offsets = [11], sizes = [1], strides = [1]} : vector<16xf32> to vector<1xf32>
      %squeeze3A_141 = vector.extract %slice3A_140[0] : f32 from vector<1xf32>
      %gather3A_142 = tpu.vector_load_idx %arg10[%add3A_50, %broadcast_in_dim3A_139] : memref<512x32xf32, #tpu.memory_space<vmem>>[vector<16xi32>, vector<16xi32>], vector<16xf32>,
      %mul3A_143 = vector.broadcast %squeeze3A_141 : f32 to vector<16xf32>
      %mul3A_144 = arith.mulf %gather3A_142, %mul3A_143 : vector<16xf32>
      %add3A_145 = arith.addf %add3A_137, %mul3A_144 : vector<16xf32>
      %broadcast_in_dim3A_146 = arith.constant 12 : i32
      %broadcast_in_dim3A_147 = vector.broadcast %broadcast_in_dim3A_146 : i32 to vector<16xi32>
      %slice3A_148 = vector.extract_strided_slice %get3A_3 {offsets = [12], sizes = [1], strides = [1]} : vector<16xf32> to vector<1xf32>
      %squeeze3A_149 = vector.extract %slice3A_148[0] : f32 from vector<1xf32>
      %gather3A_150 = tpu.vector_load_idx %arg10[%add3A_50, %broadcast_in_dim3A_147] : memref<512x32xf32, #tpu.memory_space<vmem>>[vector<16xi32>, vector<16xi32>], vector<16xf32>,
      %mul3A_151 = vector.broadcast %squeeze3A_149 : f32 to vector<16xf32>
      %mul3A_152 = arith.mulf %gather3A_150, %mul3A_151 : vector<16xf32>
      %add3A_153 = arith.addf %add3A_145, %mul3A_152 : vector<16xf32>
      %broadcast_in_dim3A_154 = arith.constant 13 : i32
      %broadcast_in_dim3A_155 = vector.broadcast %broadcast_in_dim3A_154 : i32 to vector<16xi32>
      %slice3A_156 = vector.extract_strided_slice %get3A_3 {offsets = [13], sizes = [1], strides = [1]} : vector<16xf32> to vector<1xf32>
      %squeeze3A_157 = vector.extract %slice3A_156[0] : f32 from vector<1xf32>
      %gather3A_158 = tpu.vector_load_idx %arg10[%add3A_50, %broadcast_in_dim3A_155] : memref<512x32xf32, #tpu.memory_space<vmem>>[vector<16xi32>, vector<16xi32>], vector<16xf32>,
      %mul3A_159 = vector.broadcast %squeeze3A_157 : f32 to vector<16xf32>
      %mul3A_160 = arith.mulf %gather3A_158, %mul3A_159 : vector<16xf32>
      %add3A_161 = arith.addf %add3A_153, %mul3A_160 : vector<16xf32>
      %broadcast_in_dim3A_162 = arith.constant 14 : i32
      %broadcast_in_dim3A_163 = vector.broadcast %broadcast_in_dim3A_162 : i32 to vector<16xi32>
      %slice3A_164 = vector.extract_strided_slice %get3A_3 {offsets = [14], sizes = [1], strides = [1]} : vector<16xf32> to vector<1xf32>
      %squeeze3A_165 = vector.extract %slice3A_164[0] : f32 from vector<1xf32>
      %gather3A_166 = tpu.vector_load_idx %arg10[%add3A_50, %broadcast_in_dim3A_163] : memref<512x32xf32, #tpu.memory_space<vmem>>[vector<16xi32>, vector<16xi32>], vector<16xf32>,
      %mul3A_167 = vector.broadcast %squeeze3A_165 : f32 to vector<16xf32>
      %mul3A_168 = arith.mulf %gather3A_166, %mul3A_167 : vector<16xf32>
      %add3A_169 = arith.addf %add3A_161, %mul3A_168 : vector<16xf32>
      %broadcast_in_dim3A_170 = arith.constant 15 : i32
      %broadcast_in_dim3A_171 = vector.broadcast %broadcast_in_dim3A_170 : i32 to vector<16xi32>
      %slice3A_172 = vector.extract_strided_slice %get3A_3 {offsets = [15], sizes = [1], strides = [1]} : vector<16xf32> to vector<1xf32>
      %squeeze3A_173 = vector.extract %slice3A_172[0] : f32 from vector<1xf32>
      %gather3A_174 = tpu.vector_load_idx %arg10[%add3A_50, %broadcast_in_dim3A_171] : memref<512x32xf32, #tpu.memory_space<vmem>>[vector<16xi32>, vector<16xi32>], vector<16xf32>,
      %mul3A_175 = vector.broadcast %squeeze3A_173 : f32 to vector<16xf32>
      %mul3A_176 = arith.mulf %gather3A_174, %mul3A_175 : vector<16xf32>
      %add3A_177 = arith.addf %add3A_169, %mul3A_176 : vector<16xf32>
      %broadcast_in_dim3A_178 = arith.constant 16 : i32
      %broadcast_in_dim3A_179 = vector.broadcast %broadcast_in_dim3A_178 : i32 to vector<16xi32>
      %slice3A_180 = vector.extract_strided_slice %get3A_5 {offsets = [0], sizes = [1], strides = [1]} : vector<16xf32> to vector<1xf32>
      %squeeze3A_181 = vector.extract %slice3A_180[0] : f32 from vector<1xf32>
      %gather3A_182 = tpu.vector_load_idx %arg10[%add3A_50, %broadcast_in_dim3A_179] : memref<512x32xf32, #tpu.memory_space<vmem>>[vector<16xi32>, vector<16xi32>], vector<16xf32>,
      %mul3A_183 = vector.broadcast %squeeze3A_181 : f32 to vector<16xf32>
      %mul3A_184 = arith.mulf %gather3A_182, %mul3A_183 : vector<16xf32>
      %add3A_185 = arith.addf %add3A_177, %mul3A_184 : vector<16xf32>
      %broadcast_in_dim3A_186 = arith.constant 17 : i32
      %broadcast_in_dim3A_187 = vector.broadcast %broadcast_in_dim3A_186 : i32 to vector<16xi32>
      %slice3A_188 = vector.extract_strided_slice %get3A_5 {offsets = [1], sizes = [1], strides = [1]} : vector<16xf32> to vector<1xf32>
      %squeeze3A_189 = vector.extract %slice3A_188[0] : f32 from vector<1xf32>
      %gather3A_190 = tpu.vector_load_idx %arg10[%add3A_50, %broadcast_in_dim3A_187] : memref<512x32xf32, #tpu.memory_space<vmem>>[vector<16xi32>, vector<16xi32>], vector<16xf32>,
      %mul3A_191 = vector.broadcast %squeeze3A_189 : f32 to vector<16xf32>
      %mul3A_192 = arith.mulf %gather3A_190, %mul3A_191 : vector<16xf32>
      %add3A_193 = arith.addf %add3A_185, %mul3A_192 : vector<16xf32>
      %broadcast_in_dim3A_194 = arith.constant 18 : i32
      %broadcast_in_dim3A_195 = vector.broadcast %broadcast_in_dim3A_194 : i32 to vector<16xi32>
      %slice3A_196 = vector.extract_strided_slice %get3A_5 {offsets = [2], sizes = [1], strides = [1]} : vector<16xf32> to vector<1xf32>
      %squeeze3A_197 = vector.extract %slice3A_196[0] : f32 from vector<1xf32>
      %gather3A_198 = tpu.vector_load_idx %arg10[%add3A_50, %broadcast_in_dim3A_195] : memref<512x32xf32, #tpu.memory_space<vmem>>[vector<16xi32>, vector<16xi32>], vector<16xf32>,
      %mul3A_199 = vector.broadcast %squeeze3A_197 : f32 to vector<16xf32>
      %mul3A_200 = arith.mulf %gather3A_198, %mul3A_199 : vector<16xf32>
      %add3A_201 = arith.addf %add3A_193, %mul3A_200 : vector<16xf32>
      %broadcast_in_dim3A_202 = arith.constant 19 : i32
      %broadcast_in_dim3A_203 = vector.broadcast %broadcast_in_dim3A_202 : i32 to vector<16xi32>
      %slice3A_204 = vector.extract_strided_slice %get3A_5 {offsets = [3], sizes = [1], strides = [1]} : vector<16xf32> to vector<1xf32>
      %squeeze3A_205 = vector.extract %slice3A_204[0] : f32 from vector<1xf32>
      %gather3A_206 = tpu.vector_load_idx %arg10[%add3A_50, %broadcast_in_dim3A_203] : memref<512x32xf32, #tpu.memory_space<vmem>>[vector<16xi32>, vector<16xi32>], vector<16xf32>,
      %mul3A_207 = vector.broadcast %squeeze3A_205 : f32 to vector<16xf32>
      %mul3A_208 = arith.mulf %gather3A_206, %mul3A_207 : vector<16xf32>
      %add3A_209 = arith.addf %add3A_201, %mul3A_208 : vector<16xf32>
      %broadcast_in_dim3A_210 = arith.constant 20 : i32
      %broadcast_in_dim3A_211 = vector.broadcast %broadcast_in_dim3A_210 : i32 to vector<16xi32>
      %slice3A_212 = vector.extract_strided_slice %get3A_5 {offsets = [4], sizes = [1], strides = [1]} : vector<16xf32> to vector<1xf32>
      %squeeze3A_213 = vector.extract %slice3A_212[0] : f32 from vector<1xf32>
      %gather3A_214 = tpu.vector_load_idx %arg10[%add3A_50, %broadcast_in_dim3A_211] : memref<512x32xf32, #tpu.memory_space<vmem>>[vector<16xi32>, vector<16xi32>], vector<16xf32>,
      %mul3A_215 = vector.broadcast %squeeze3A_213 : f32 to vector<16xf32>
      %mul3A_216 = arith.mulf %gather3A_214, %mul3A_215 : vector<16xf32>
      %add3A_217 = arith.addf %add3A_209, %mul3A_216 : vector<16xf32>
      %broadcast_in_dim3A_218 = arith.constant 21 : i32
      %broadcast_in_dim3A_219 = vector.broadcast %broadcast_in_dim3A_218 : i32 to vector<16xi32>
      %slice3A_220 = vector.extract_strided_slice %get3A_5 {offsets = [5], sizes = [1], strides = [1]} : vector<16xf32> to vector<1xf32>
      %squeeze3A_221 = vector.extract %slice3A_220[0] : f32 from vector<1xf32>
      %gather3A_222 = tpu.vector_load_idx %arg10[%add3A_50, %broadcast_in_dim3A_219] : memref<512x32xf32, #tpu.memory_space<vmem>>[vector<16xi32>, vector<16xi32>], vector<16xf32>,
      %mul3A_223 = vector.broadcast %squeeze3A_221 : f32 to vector<16xf32>
      %mul3A_224 = arith.mulf %gather3A_222, %mul3A_223 : vector<16xf32>
      %add3A_225 = arith.addf %add3A_217, %mul3A_224 : vector<16xf32>
      %broadcast_in_dim3A_226 = arith.constant 22 : i32
      %broadcast_in_dim3A_227 = vector.broadcast %broadcast_in_dim3A_226 : i32 to vector<16xi32>
      %slice3A_228 = vector.extract_strided_slice %get3A_5 {offsets = [6], sizes = [1], strides = [1]} : vector<16xf32> to vector<1xf32>
      %squeeze3A_229 = vector.extract %slice3A_228[0] : f32 from vector<1xf32>
      %gather3A_230 = tpu.vector_load_idx %arg10[%add3A_50, %broadcast_in_dim3A_227] : memref<512x32xf32, #tpu.memory_space<vmem>>[vector<16xi32>, vector<16xi32>], vector<16xf32>,
      %mul3A_231 = vector.broadcast %squeeze3A_229 : f32 to vector<16xf32>
      %mul3A_232 = arith.mulf %gather3A_230, %mul3A_231 : vector<16xf32>
      %add3A_233 = arith.addf %add3A_225, %mul3A_232 : vector<16xf32>
      %broadcast_in_dim3A_234 = arith.constant 23 : i32
      %broadcast_in_dim3A_235 = vector.broadcast %broadcast_in_dim3A_234 : i32 to vector<16xi32>
      %slice3A_236 = vector.extract_strided_slice %get3A_5 {offsets = [7], sizes = [1], strides = [1]} : vector<16xf32> to vector<1xf32>
      %squeeze3A_237 = vector.extract %slice3A_236[0] : f32 from vector<1xf32>
      %gather3A_238 = tpu.vector_load_idx %arg10[%add3A_50, %broadcast_in_dim3A_235] : memref<512x32xf32, #tpu.memory_space<vmem>>[vector<16xi32>, vector<16xi32>], vector<16xf32>,
      %mul3A_239 = vector.broadcast %squeeze3A_237 : f32 to vector<16xf32>
      %mul3A_240 = arith.mulf %gather3A_238, %mul3A_239 : vector<16xf32>
      %add3A_241 = arith.addf %add3A_233, %mul3A_240 : vector<16xf32>
      %broadcast_in_dim3A_242 = arith.constant 24 : i32
      %broadcast_in_dim3A_243 = vector.broadcast %broadcast_in_dim3A_242 : i32 to vector<16xi32>
      %slice3A_244 = vector.extract_strided_slice %get3A_5 {offsets = [8], sizes = [1], strides = [1]} : vector<16xf32> to vector<1xf32>
      %squeeze3A_245 = vector.extract %slice3A_244[0] : f32 from vector<1xf32>
      %gather3A_246 = tpu.vector_load_idx %arg10[%add3A_50, %broadcast_in_dim3A_243] : memref<512x32xf32, #tpu.memory_space<vmem>>[vector<16xi32>, vector<16xi32>], vector<16xf32>,
      %mul3A_247 = vector.broadcast %squeeze3A_245 : f32 to vector<16xf32>
      %mul3A_248 = arith.mulf %gather3A_246, %mul3A_247 : vector<16xf32>
      %add3A_249 = arith.addf %add3A_241, %mul3A_248 : vector<16xf32>
      %broadcast_in_dim3A_250 = arith.constant 25 : i32
      %broadcast_in_dim3A_251 = vector.broadcast %broadcast_in_dim3A_250 : i32 to vector<16xi32>
      %slice3A_252 = vector.extract_strided_slice %get3A_5 {offsets = [9], sizes = [1], strides = [1]} : vector<16xf32> to vector<1xf32>
      %squeeze3A_253 = vector.extract %slice3A_252[0] : f32 from vector<1xf32>
      %gather3A_254 = tpu.vector_load_idx %arg10[%add3A_50, %broadcast_in_dim3A_251] : memref<512x32xf32, #tpu.memory_space<vmem>>[vector<16xi32>, vector<16xi32>], vector<16xf32>,
      %mul3A_255 = vector.broadcast %squeeze3A_253 : f32 to vector<16xf32>
      %mul3A_256 = arith.mulf %gather3A_254, %mul3A_255 : vector<16xf32>
      %add3A_257 = arith.addf %add3A_249, %mul3A_256 : vector<16xf32>
      %broadcast_in_dim3A_258 = arith.constant 26 : i32
      %broadcast_in_dim3A_259 = vector.broadcast %broadcast_in_dim3A_258 : i32 to vector<16xi32>
      %slice3A_260 = vector.extract_strided_slice %get3A_5 {offsets = [10], sizes = [1], strides = [1]} : vector<16xf32> to vector<1xf32>
      %squeeze3A_261 = vector.extract %slice3A_260[0] : f32 from vector<1xf32>
      %gather3A_262 = tpu.vector_load_idx %arg10[%add3A_50, %broadcast_in_dim3A_259] : memref<512x32xf32, #tpu.memory_space<vmem>>[vector<16xi32>, vector<16xi32>], vector<16xf32>,
      %mul3A_263 = vector.broadcast %squeeze3A_261 : f32 to vector<16xf32>
      %mul3A_264 = arith.mulf %gather3A_262, %mul3A_263 : vector<16xf32>
      %add3A_265 = arith.addf %add3A_257, %mul3A_264 : vector<16xf32>
      %broadcast_in_dim3A_266 = arith.constant 27 : i32
      %broadcast_in_dim3A_267 = vector.broadcast %broadcast_in_dim3A_266 : i32 to vector<16xi32>
      %slice3A_268 = vector.extract_strided_slice %get3A_5 {offsets = [11], sizes = [1], strides = [1]} : vector<16xf32> to vector<1xf32>
      %squeeze3A_269 = vector.extract %slice3A_268[0] : f32 from vector<1xf32>
      %gather3A_270 = tpu.vector_load_idx %arg10[%add3A_50, %broadcast_in_dim3A_267] : memref<512x32xf32, #tpu.memory_space<vmem>>[vector<16xi32>, vector<16xi32>], vector<16xf32>,
      %mul3A_271 = vector.broadcast %squeeze3A_269 : f32 to vector<16xf32>
      %mul3A_272 = arith.mulf %gather3A_270, %mul3A_271 : vector<16xf32>
      %add3A_273 = arith.addf %add3A_265, %mul3A_272 : vector<16xf32>
      %broadcast_in_dim3A_274 = arith.constant 28 : i32
      %broadcast_in_dim3A_275 = vector.broadcast %broadcast_in_dim3A_274 : i32 to vector<16xi32>
      %slice3A_276 = vector.extract_strided_slice %get3A_5 {offsets = [12], sizes = [1], strides = [1]} : vector<16xf32> to vector<1xf32>
      %squeeze3A_277 = vector.extract %slice3A_276[0] : f32 from vector<1xf32>
      %gather3A_278 = tpu.vector_load_idx %arg10[%add3A_50, %broadcast_in_dim3A_275] : memref<512x32xf32, #tpu.memory_space<vmem>>[vector<16xi32>, vector<16xi32>], vector<16xf32>,
      %mul3A_279 = vector.broadcast %squeeze3A_277 : f32 to vector<16xf32>
      %mul3A_280 = arith.mulf %gather3A_278, %mul3A_279 : vector<16xf32>
      %add3A_281 = arith.addf %add3A_273, %mul3A_280 : vector<16xf32>
      %broadcast_in_dim3A_282 = arith.constant 29 : i32
      %broadcast_in_dim3A_283 = vector.broadcast %broadcast_in_dim3A_282 : i32 to vector<16xi32>
      %slice3A_284 = vector.extract_strided_slice %get3A_5 {offsets = [13], sizes = [1], strides = [1]} : vector<16xf32> to vector<1xf32>
      %squeeze3A_285 = vector.extract %slice3A_284[0] : f32 from vector<1xf32>
      %gather3A_286 = tpu.vector_load_idx %arg10[%add3A_50, %broadcast_in_dim3A_283] : memref<512x32xf32, #tpu.memory_space<vmem>>[vector<16xi32>, vector<16xi32>], vector<16xf32>,
      %mul3A_287 = vector.broadcast %squeeze3A_285 : f32 to vector<16xf32>
      %mul3A_288 = arith.mulf %gather3A_286, %mul3A_287 : vector<16xf32>
      %add3A_289 = arith.addf %add3A_281, %mul3A_288 : vector<16xf32>
      %broadcast_in_dim3A_290 = arith.constant 30 : i32
      %broadcast_in_dim3A_291 = vector.broadcast %broadcast_in_dim3A_290 : i32 to vector<16xi32>
      %slice3A_292 = vector.extract_strided_slice %get3A_5 {offsets = [14], sizes = [1], strides = [1]} : vector<16xf32> to vector<1xf32>
      %squeeze3A_293 = vector.extract %slice3A_292[0] : f32 from vector<1xf32>
      %gather3A_294 = tpu.vector_load_idx %arg10[%add3A_50, %broadcast_in_dim3A_291] : memref<512x32xf32, #tpu.memory_space<vmem>>[vector<16xi32>, vector<16xi32>], vector<16xf32>,
      %mul3A_295 = vector.broadcast %squeeze3A_293 : f32 to vector<16xf32>
      %mul3A_296 = arith.mulf %gather3A_294, %mul3A_295 : vector<16xf32>
      %add3A_297 = arith.addf %add3A_289, %mul3A_296 : vector<16xf32>
      %broadcast_in_dim3A_298 = arith.constant 31 : i32
      %broadcast_in_dim3A_299 = vector.broadcast %broadcast_in_dim3A_298 : i32 to vector<16xi32>
      %slice3A_300 = vector.extract_strided_slice %get3A_5 {offsets = [15], sizes = [1], strides = [1]} : vector<16xf32> to vector<1xf32>
      %squeeze3A_301 = vector.extract %slice3A_300[0] : f32 from vector<1xf32>
      %gather3A_302 = tpu.vector_load_idx %arg10[%add3A_50, %broadcast_in_dim3A_299] : memref<512x32xf32, #tpu.memory_space<vmem>>[vector<16xi32>, vector<16xi32>], vector<16xf32>,
      %mul3A_303 = vector.broadcast %squeeze3A_301 : f32 to vector<16xf32>
      %mul3A_304 = arith.mulf %gather3A_302, %mul3A_303 : vector<16xf32>
      %add3A_305 = arith.addf %add3A_297, %mul3A_304 : vector<16xf32>
      %mul3A_306 = arith.constant 16 : i32
      %mul3A_307 = arith.muli %scan3A_46, %mul3A_306 : i32
      %swap3A = arith.index_cast %mul3A_307 : i32 to index
      %swap3A_308 = tpu.vector_load %arg12[%swap3A] {strides = array<i32>} : memref<512xf32, #tpu.memory_space<vmem>>, vector<16xf32>,
      tpu.vector_store %arg12[%swap3A], %add3A_305 {strides = array<i32>} : memref<512xf32, #tpu.memory_space<vmem>>, vector<16xf32>,
    }
    %scan3A_27 = arith.constant 32 : i32
    %scan3A_28 = arith.constant 0 : i32
    %scan3A_29 = arith.constant 0 : i32
    %scan3A_30 = arith.constant 32 : i32
    %scan3A_31 = arith.addi %scan3A_29, %scan3A_30 : i32
    %scan3A_32 = arith.constant 1 : i32
    scf.for %scan3A_46 = %scan3A_29 to %scan3A_31 step %scan3A_32  : i32 {
      %mul3A_47 = arith.constant 16 : i32
      %mul3A_48 = arith.muli %scan3A_46, %mul3A_47 : i32
      %get3A_49 = arith.index_cast %mul3A_48 : i32 to index
      %get3A_50 = tpu.vector_load %arg9[%get3A_49] {strides = array<i32>} : memref<512xi32, #tpu.memory_space<vmem>>, vector<16xi32>,
      %mul3A_51 = arith.constant 16 : i32
      %mul3A_52 = arith.muli %scan3A_46, %mul3A_51 : i32
      %add3A_53 = arith.constant 0 : i32
      %add3A_54 = arith.addi %mul3A_52, %add3A_53 : i32
      %slice3A_55 = vector.extract_strided_slice %get3A_50 {offsets = [0], sizes = [1], strides = [1]} : vector<16xi32> to vector<1xi32>
      %squeeze3A_56 = vector.extract %slice3A_55[0] : i32 from vector<1xi32>
      %dma_start3A = arith.constant 0 : i32
      %dma_start3A_57 = tpu.memref_slice %arg10[%add3A_54, %dma_start3A] : memref<512x32xf32, #tpu.memory_space<vmem>> -> memref<1x32xf32, #tpu.memory_space<vmem>>
      %dma_start3A_58 = arith.constant 0 : i32
      %dma_start3A_59 = tpu.memref_slice %arg5[%squeeze3A_56, %dma_start3A_58] : memref<100001x32xf32, #tpu.memory_space<hbm>> -> memref<1x32xf32, #tpu.memory_space<hbm>>
      %dma_start3A_60 = arith.constant 0 : i32
      %dma_start3A_61 = tpu.memref_slice %arg10[%add3A_54, %dma_start3A_60] : memref<512x32xf32, #tpu.memory_space<vmem>> -> memref<1x32xf32, #tpu.memory_space<vmem>>
      %dma_start3A_62 = arith.constant 0 : i32
      %dma_start3A_63 = tpu.memref_slice %arg5[%squeeze3A_56, %dma_start3A_62] : memref<100001x32xf32, #tpu.memory_space<hbm>> -> memref<1x32xf32, #tpu.memory_space<hbm>>
      tpu.enqueue_dma source(%dma_start3A_63 : memref<1x32xf32, #tpu.memory_space<hbm>>) target(%dma_start3A_61 : memref<1x32xf32, #tpu.memory_space<vmem>>) target_semaphore(%arg13 : memref<!tpu.dma_semaphore, #tpu.memory_space<semaphore_mem>>)
      %mul3A_64 = arith.constant 16 : i32
      %mul3A_65 = arith.muli %scan3A_46, %mul3A_64 : i32
      %add3A_66 = arith.constant 1 : i32
      %add3A_67 = arith.addi %mul3A_65, %add3A_66 : i32
      %slice3A_68 = vector.extract_strided_slice %get3A_50 {offsets = [1], sizes = [1], strides = [1]} : vector<16xi32> to vector<1xi32>
      %squeeze3A_69 = vector.extract %slice3A_68[0] : i32 from vector<1xi32>
      %dma_start3A_70 = arith.constant 0 : i32
      %dma_start3A_71 = tpu.memref_slice %arg10[%add3A_67, %dma_start3A_70] : memref<512x32xf32, #tpu.memory_space<vmem>> -> memref<1x32xf32, #tpu.memory_space<vmem>>
      %dma_start3A_72 = arith.constant 0 : i32
      %dma_start3A_73 = tpu.memref_slice %arg5[%squeeze3A_69, %dma_start3A_72] : memref<100001x32xf32, #tpu.memory_space<hbm>> -> memref<1x32xf32, #tpu.memory_space<hbm>>
      %dma_start3A_74 = arith.constant 0 : i32
      %dma_start3A_75 = tpu.memref_slice %arg10[%add3A_67, %dma_start3A_74] : memref<512x32xf32, #tpu.memory_space<vmem>> -> memref<1x32xf32, #tpu.memory_space<vmem>>
      %dma_start3A_76 = arith.constant 0 : i32
      %dma_start3A_77 = tpu.memref_slice %arg5[%squeeze3A_69, %dma_start3A_76] : memref<100001x32xf32, #tpu.memory_space<hbm>> -> memref<1x32xf32, #tpu.memory_space<hbm>>
      tpu.enqueue_dma source(%dma_start3A_77 : memref<1x32xf32, #tpu.memory_space<hbm>>) target(%dma_start3A_75 : memref<1x32xf32, #tpu.memory_space<vmem>>) target_semaphore(%arg13 : memref<!tpu.dma_semaphore, #tpu.memory_space<semaphore_mem>>)
      %mul3A_78 = arith.constant 16 : i32
      %mul3A_79 = arith.muli %scan3A_46, %mul3A_78 : i32
      %add3A_80 = arith.constant 2 : i32
      %add3A_81 = arith.addi %mul3A_79, %add3A_80 : i32
      %slice3A_82 = vector.extract_strided_slice %get3A_50 {offsets = [2], sizes = [1], strides = [1]} : vector<16xi32> to vector<1xi32>
      %squeeze3A_83 = vector.extract %slice3A_82[0] : i32 from vector<1xi32>
      %dma_start3A_84 = arith.constant 0 : i32
      %dma_start3A_85 = tpu.memref_slice %arg10[%add3A_81, %dma_start3A_84] : memref<512x32xf32, #tpu.memory_space<vmem>> -> memref<1x32xf32, #tpu.memory_space<vmem>>
      %dma_start3A_86 = arith.constant 0 : i32
      %dma_start3A_87 = tpu.memref_slice %arg5[%squeeze3A_83, %dma_start3A_86] : memref<100001x32xf32, #tpu.memory_space<hbm>> -> memref<1x32xf32, #tpu.memory_space<hbm>>
      %dma_start3A_88 = arith.constant 0 : i32
      %dma_start3A_89 = tpu.memref_slice %arg10[%add3A_81, %dma_start3A_88] : memref<512x32xf32, #tpu.memory_space<vmem>> -> memref<1x32xf32, #tpu.memory_space<vmem>>
      %dma_start3A_90 = arith.constant 0 : i32
      %dma_start3A_91 = tpu.memref_slice %arg5[%squeeze3A_83, %dma_start3A_90] : memref<100001x32xf32, #tpu.memory_space<hbm>> -> memref<1x32xf32, #tpu.memory_space<hbm>>
      tpu.enqueue_dma source(%dma_start3A_91 : memref<1x32xf32, #tpu.memory_space<hbm>>) target(%dma_start3A_89 : memref<1x32xf32, #tpu.memory_space<vmem>>) target_semaphore(%arg13 : memref<!tpu.dma_semaphore, #tpu.memory_space<semaphore_mem>>)
      %mul3A_92 = arith.constant 16 : i32
      %mul3A_93 = arith.muli %scan3A_46, %mul3A_92 : i32
      %add3A_94 = arith.constant 3 : i32
      %add3A_95 = arith.addi %mul3A_93, %add3A_94 : i32
      %slice3A_96 = vector.extract_strided_slice %get3A_50 {offsets = [3], sizes = [1], strides = [1]} : vector<16xi32> to vector<1xi32>
      %squeeze3A_97 = vector.extract %slice3A_96[0] : i32 from vector<1xi32>
      %dma_start3A_98 = arith.constant 0 : i32
      %dma_start3A_99 = tpu.memref_slice %arg10[%add3A_95, %dma_start3A_98] : memref<512x32xf32, #tpu.memory_space<vmem>> -> memref<1x32xf32, #tpu.memory_space<vmem>>
      %dma_start3A_100 = arith.constant 0 : i32
      %dma_start3A_101 = tpu.memref_slice %arg5[%squeeze3A_97, %dma_start3A_100] : memref<100001x32xf32, #tpu.memory_space<hbm>> -> memref<1x32xf32, #tpu.memory_space<hbm>>
      %dma_start3A_102 = arith.constant 0 : i32
      %dma_start3A_103 = tpu.memref_slice %arg10[%add3A_95, %dma_start3A_102] : memref<512x32xf32, #tpu.memory_space<vmem>> -> memref<1x32xf32, #tpu.memory_space<vmem>>
      %dma_start3A_104 = arith.constant 0 : i32
      %dma_start3A_105 = tpu.memref_slice %arg5[%squeeze3A_97, %dma_start3A_104] : memref<100001x32xf32, #tpu.memory_space<hbm>> -> memref<1x32xf32, #tpu.memory_space<hbm>>
      tpu.enqueue_dma source(%dma_start3A_105 : memref<1x32xf32, #tpu.memory_space<hbm>>) target(%dma_start3A_103 : memref<1x32xf32, #tpu.memory_space<vmem>>) target_semaphore(%arg13 : memref<!tpu.dma_semaphore, #tpu.memory_space<semaphore_mem>>)
      %mul3A_106 = arith.constant 16 : i32
      %mul3A_107 = arith.muli %scan3A_46, %mul3A_106 : i32
      %add3A_108 = arith.constant 4 : i32
      %add3A_109 = arith.addi %mul3A_107, %add3A_108 : i32
      %slice3A_110 = vector.extract_strided_slice %get3A_50 {offsets = [4], sizes = [1], strides = [1]} : vector<16xi32> to vector<1xi32>
      %squeeze3A_111 = vector.extract %slice3A_110[0] : i32 from vector<1xi32>
      %dma_start3A_112 = arith.constant 0 : i32
      %dma_start3A_113 = tpu.memref_slice %arg10[%add3A_109, %dma_start3A_112] : memref<512x32xf32, #tpu.memory_space<vmem>> -> memref<1x32xf32, #tpu.memory_space<vmem>>
      %dma_start3A_114 = arith.constant 0 : i32
      %dma_start3A_115 = tpu.memref_slice %arg5[%squeeze3A_111, %dma_start3A_114] : memref<100001x32xf32, #tpu.memory_space<hbm>> -> memref<1x32xf32, #tpu.memory_space<hbm>>
      %dma_start3A_116 = arith.constant 0 : i32
      %dma_start3A_117 = tpu.memref_slice %arg10[%add3A_109, %dma_start3A_116] : memref<512x32xf32, #tpu.memory_space<vmem>> -> memref<1x32xf32, #tpu.memory_space<vmem>>
      %dma_start3A_118 = arith.constant 0 : i32
      %dma_start3A_119 = tpu.memref_slice %arg5[%squeeze3A_111, %dma_start3A_118] : memref<100001x32xf32, #tpu.memory_space<hbm>> -> memref<1x32xf32, #tpu.memory_space<hbm>>
      tpu.enqueue_dma source(%dma_start3A_119 : memref<1x32xf32, #tpu.memory_space<hbm>>) target(%dma_start3A_117 : memref<1x32xf32, #tpu.memory_space<vmem>>) target_semaphore(%arg13 : memref<!tpu.dma_semaphore, #tpu.memory_space<semaphore_mem>>)
      %mul3A_120 = arith.constant 16 : i32
      %mul3A_121 = arith.muli %scan3A_46, %mul3A_120 : i32
      %add3A_122 = arith.constant 5 : i32
      %add3A_123 = arith.addi %mul3A_121, %add3A_122 : i32
      %slice3A_124 = vector.extract_strided_slice %get3A_50 {offsets = [5], sizes = [1], strides = [1]} : vector<16xi32> to vector<1xi32>
      %squeeze3A_125 = vector.extract %slice3A_124[0] : i32 from vector<1xi32>
      %dma_start3A_126 = arith.constant 0 : i32
      %dma_start3A_127 = tpu.memref_slice %arg10[%add3A_123, %dma_start3A_126] : memref<512x32xf32, #tpu.memory_space<vmem>> -> memref<1x32xf32, #tpu.memory_space<vmem>>
      %dma_start3A_128 = arith.constant 0 : i32
      %dma_start3A_129 = tpu.memref_slice %arg5[%squeeze3A_125, %dma_start3A_128] : memref<100001x32xf32, #tpu.memory_space<hbm>> -> memref<1x32xf32, #tpu.memory_space<hbm>>
      %dma_start3A_130 = arith.constant 0 : i32
      %dma_start3A_131 = tpu.memref_slice %arg10[%add3A_123, %dma_start3A_130] : memref<512x32xf32, #tpu.memory_space<vmem>> -> memref<1x32xf32, #tpu.memory_space<vmem>>
      %dma_start3A_132 = arith.constant 0 : i32
      %dma_start3A_133 = tpu.memref_slice %arg5[%squeeze3A_125, %dma_start3A_132] : memref<100001x32xf32, #tpu.memory_space<hbm>> -> memref<1x32xf32, #tpu.memory_space<hbm>>
      tpu.enqueue_dma source(%dma_start3A_133 : memref<1x32xf32, #tpu.memory_space<hbm>>) target(%dma_start3A_131 : memref<1x32xf32, #tpu.memory_space<vmem>>) target_semaphore(%arg13 : memref<!tpu.dma_semaphore, #tpu.memory_space<semaphore_mem>>)
      %mul3A_134 = arith.constant 16 : i32
      %mul3A_135 = arith.muli %scan3A_46, %mul3A_134 : i32
      %add3A_136 = arith.constant 6 : i32
      %add3A_137 = arith.addi %mul3A_135, %add3A_136 : i32
      %slice3A_138 = vector.extract_strided_slice %get3A_50 {offsets = [6], sizes = [1], strides = [1]} : vector<16xi32> to vector<1xi32>
      %squeeze3A_139 = vector.extract %slice3A_138[0] : i32 from vector<1xi32>
      %dma_start3A_140 = arith.constant 0 : i32
      %dma_start3A_141 = tpu.memref_slice %arg10[%add3A_137, %dma_start3A_140] : memref<512x32xf32, #tpu.memory_space<vmem>> -> memref<1x32xf32, #tpu.memory_space<vmem>>
      %dma_start3A_142 = arith.constant 0 : i32
      %dma_start3A_143 = tpu.memref_slice %arg5[%squeeze3A_139, %dma_start3A_142] : memref<100001x32xf32, #tpu.memory_space<hbm>> -> memref<1x32xf32, #tpu.memory_space<hbm>>
      %dma_start3A_144 = arith.constant 0 : i32
      %dma_start3A_145 = tpu.memref_slice %arg10[%add3A_137, %dma_start3A_144] : memref<512x32xf32, #tpu.memory_space<vmem>> -> memref<1x32xf32, #tpu.memory_space<vmem>>
      %dma_start3A_146 = arith.constant 0 : i32
      %dma_start3A_147 = tpu.memref_slice %arg5[%squeeze3A_139, %dma_start3A_146] : memref<100001x32xf32, #tpu.memory_space<hbm>> -> memref<1x32xf32, #tpu.memory_space<hbm>>
      tpu.enqueue_dma source(%dma_start3A_147 : memref<1x32xf32, #tpu.memory_space<hbm>>) target(%dma_start3A_145 : memref<1x32xf32, #tpu.memory_space<vmem>>) target_semaphore(%arg13 : memref<!tpu.dma_semaphore, #tpu.memory_space<semaphore_mem>>)
      %mul3A_148 = arith.constant 16 : i32
      %mul3A_149 = arith.muli %scan3A_46, %mul3A_148 : i32
      %add3A_150 = arith.constant 7 : i32
      %add3A_151 = arith.addi %mul3A_149, %add3A_150 : i32
      %slice3A_152 = vector.extract_strided_slice %get3A_50 {offsets = [7], sizes = [1], strides = [1]} : vector<16xi32> to vector<1xi32>
      %squeeze3A_153 = vector.extract %slice3A_152[0] : i32 from vector<1xi32>
      %dma_start3A_154 = arith.constant 0 : i32
      %dma_start3A_155 = tpu.memref_slice %arg10[%add3A_151, %dma_start3A_154] : memref<512x32xf32, #tpu.memory_space<vmem>> -> memref<1x32xf32, #tpu.memory_space<vmem>>
      %dma_start3A_156 = arith.constant 0 : i32
      %dma_start3A_157 = tpu.memref_slice %arg5[%squeeze3A_153, %dma_start3A_156] : memref<100001x32xf32, #tpu.memory_space<hbm>> -> memref<1x32xf32, #tpu.memory_space<hbm>>
      %dma_start3A_158 = arith.constant 0 : i32
      %dma_start3A_159 = tpu.memref_slice %arg10[%add3A_151, %dma_start3A_158] : memref<512x32xf32, #tpu.memory_space<vmem>> -> memref<1x32xf32, #tpu.memory_space<vmem>>
      %dma_start3A_160 = arith.constant 0 : i32
      %dma_start3A_161 = tpu.memref_slice %arg5[%squeeze3A_153, %dma_start3A_160] : memref<100001x32xf32, #tpu.memory_space<hbm>> -> memref<1x32xf32, #tpu.memory_space<hbm>>
      tpu.enqueue_dma source(%dma_start3A_161 : memref<1x32xf32, #tpu.memory_space<hbm>>) target(%dma_start3A_159 : memref<1x32xf32, #tpu.memory_space<vmem>>) target_semaphore(%arg13 : memref<!tpu.dma_semaphore, #tpu.memory_space<semaphore_mem>>)
      %mul3A_162 = arith.constant 16 : i32
      %mul3A_163 = arith.muli %scan3A_46, %mul3A_162 : i32
      %add3A_164 = arith.constant 8 : i32
      %add3A_165 = arith.addi %mul3A_163, %add3A_164 : i32
      %slice3A_166 = vector.extract_strided_slice %get3A_50 {offsets = [8], sizes = [1], strides = [1]} : vector<16xi32> to vector<1xi32>
      %squeeze3A_167 = vector.extract %slice3A_166[0] : i32 from vector<1xi32>
      %dma_start3A_168 = arith.constant 0 : i32
      %dma_start3A_169 = tpu.memref_slice %arg10[%add3A_165, %dma_start3A_168] : memref<512x32xf32, #tpu.memory_space<vmem>> -> memref<1x32xf32, #tpu.memory_space<vmem>>
      %dma_start3A_170 = arith.constant 0 : i32
      %dma_start3A_171 = tpu.memref_slice %arg5[%squeeze3A_167, %dma_start3A_170] : memref<100001x32xf32, #tpu.memory_space<hbm>> -> memref<1x32xf32, #tpu.memory_space<hbm>>
      %dma_start3A_172 = arith.constant 0 : i32
      %dma_start3A_173 = tpu.memref_slice %arg10[%add3A_165, %dma_start3A_172] : memref<512x32xf32, #tpu.memory_space<vmem>> -> memref<1x32xf32, #tpu.memory_space<vmem>>
      %dma_start3A_174 = arith.constant 0 : i32
      %dma_start3A_175 = tpu.memref_slice %arg5[%squeeze3A_167, %dma_start3A_174] : memref<100001x32xf32, #tpu.memory_space<hbm>> -> memref<1x32xf32, #tpu.memory_space<hbm>>
      tpu.enqueue_dma source(%dma_start3A_175 : memref<1x32xf32, #tpu.memory_space<hbm>>) target(%dma_start3A_173 : memref<1x32xf32, #tpu.memory_space<vmem>>) target_semaphore(%arg13 : memref<!tpu.dma_semaphore, #tpu.memory_space<semaphore_mem>>)
      %mul3A_176 = arith.constant 16 : i32
      %mul3A_177 = arith.muli %scan3A_46, %mul3A_176 : i32
      %add3A_178 = arith.constant 9 : i32
      %add3A_179 = arith.addi %mul3A_177, %add3A_178 : i32
      %slice3A_180 = vector.extract_strided_slice %get3A_50 {offsets = [9], sizes = [1], strides = [1]} : vector<16xi32> to vector<1xi32>
      %squeeze3A_181 = vector.extract %slice3A_180[0] : i32 from vector<1xi32>
      %dma_start3A_182 = arith.constant 0 : i32
      %dma_start3A_183 = tpu.memref_slice %arg10[%add3A_179, %dma_start3A_182] : memref<512x32xf32, #tpu.memory_space<vmem>> -> memref<1x32xf32, #tpu.memory_space<vmem>>
      %dma_start3A_184 = arith.constant 0 : i32
      %dma_start3A_185 = tpu.memref_slice %arg5[%squeeze3A_181, %dma_start3A_184] : memref<100001x32xf32, #tpu.memory_space<hbm>> -> memref<1x32xf32, #tpu.memory_space<hbm>>
      %dma_start3A_186 = arith.constant 0 : i32
      %dma_start3A_187 = tpu.memref_slice %arg10[%add3A_179, %dma_start3A_186] : memref<512x32xf32, #tpu.memory_space<vmem>> -> memref<1x32xf32, #tpu.memory_space<vmem>>
      %dma_start3A_188 = arith.constant 0 : i32
      %dma_start3A_189 = tpu.memref_slice %arg5[%squeeze3A_181, %dma_start3A_188] : memref<100001x32xf32, #tpu.memory_space<hbm>> -> memref<1x32xf32, #tpu.memory_space<hbm>>
      tpu.enqueue_dma source(%dma_start3A_189 : memref<1x32xf32, #tpu.memory_space<hbm>>) target(%dma_start3A_187 : memref<1x32xf32, #tpu.memory_space<vmem>>) target_semaphore(%arg13 : memref<!tpu.dma_semaphore, #tpu.memory_space<semaphore_mem>>)
      %mul3A_190 = arith.constant 16 : i32
      %mul3A_191 = arith.muli %scan3A_46, %mul3A_190 : i32
      %add3A_192 = arith.constant 10 : i32
      %add3A_193 = arith.addi %mul3A_191, %add3A_192 : i32
      %slice3A_194 = vector.extract_strided_slice %get3A_50 {offsets = [10], sizes = [1], strides = [1]} : vector<16xi32> to vector<1xi32>
      %squeeze3A_195 = vector.extract %slice3A_194[0] : i32 from vector<1xi32>
      %dma_start3A_196 = arith.constant 0 : i32
      %dma_start3A_197 = tpu.memref_slice %arg10[%add3A_193, %dma_start3A_196] : memref<512x32xf32, #tpu.memory_space<vmem>> -> memref<1x32xf32, #tpu.memory_space<vmem>>
      %dma_start3A_198 = arith.constant 0 : i32
      %dma_start3A_199 = tpu.memref_slice %arg5[%squeeze3A_195, %dma_start3A_198] : memref<100001x32xf32, #tpu.memory_space<hbm>> -> memref<1x32xf32, #tpu.memory_space<hbm>>
      %dma_start3A_200 = arith.constant 0 : i32
      %dma_start3A_201 = tpu.memref_slice %arg10[%add3A_193, %dma_start3A_200] : memref<512x32xf32, #tpu.memory_space<vmem>> -> memref<1x32xf32, #tpu.memory_space<vmem>>
      %dma_start3A_202 = arith.constant 0 : i32
      %dma_start3A_203 = tpu.memref_slice %arg5[%squeeze3A_195, %dma_start3A_202] : memref<100001x32xf32, #tpu.memory_space<hbm>> -> memref<1x32xf32, #tpu.memory_space<hbm>>
      tpu.enqueue_dma source(%dma_start3A_203 : memref<1x32xf32, #tpu.memory_space<hbm>>) target(%dma_start3A_201 : memref<1x32xf32, #tpu.memory_space<vmem>>) target_semaphore(%arg13 : memref<!tpu.dma_semaphore, #tpu.memory_space<semaphore_mem>>)
      %mul3A_204 = arith.constant 16 : i32
      %mul3A_205 = arith.muli %scan3A_46, %mul3A_204 : i32
      %add3A_206 = arith.constant 11 : i32
      %add3A_207 = arith.addi %mul3A_205, %add3A_206 : i32
      %slice3A_208 = vector.extract_strided_slice %get3A_50 {offsets = [11], sizes = [1], strides = [1]} : vector<16xi32> to vector<1xi32>
      %squeeze3A_209 = vector.extract %slice3A_208[0] : i32 from vector<1xi32>
      %dma_start3A_210 = arith.constant 0 : i32
      %dma_start3A_211 = tpu.memref_slice %arg10[%add3A_207, %dma_start3A_210] : memref<512x32xf32, #tpu.memory_space<vmem>> -> memref<1x32xf32, #tpu.memory_space<vmem>>
      %dma_start3A_212 = arith.constant 0 : i32
      %dma_start3A_213 = tpu.memref_slice %arg5[%squeeze3A_209, %dma_start3A_212] : memref<100001x32xf32, #tpu.memory_space<hbm>> -> memref<1x32xf32, #tpu.memory_space<hbm>>
      %dma_start3A_214 = arith.constant 0 : i32
      %dma_start3A_215 = tpu.memref_slice %arg10[%add3A_207, %dma_start3A_214] : memref<512x32xf32, #tpu.memory_space<vmem>> -> memref<1x32xf32, #tpu.memory_space<vmem>>
      %dma_start3A_216 = arith.constant 0 : i32
      %dma_start3A_217 = tpu.memref_slice %arg5[%squeeze3A_209, %dma_start3A_216] : memref<100001x32xf32, #tpu.memory_space<hbm>> -> memref<1x32xf32, #tpu.memory_space<hbm>>
      tpu.enqueue_dma source(%dma_start3A_217 : memref<1x32xf32, #tpu.memory_space<hbm>>) target(%dma_start3A_215 : memref<1x32xf32, #tpu.memory_space<vmem>>) target_semaphore(%arg13 : memref<!tpu.dma_semaphore, #tpu.memory_space<semaphore_mem>>)
      %mul3A_218 = arith.constant 16 : i32
      %mul3A_219 = arith.muli %scan3A_46, %mul3A_218 : i32
      %add3A_220 = arith.constant 12 : i32
      %add3A_221 = arith.addi %mul3A_219, %add3A_220 : i32
      %slice3A_222 = vector.extract_strided_slice %get3A_50 {offsets = [12], sizes = [1], strides = [1]} : vector<16xi32> to vector<1xi32>
      %squeeze3A_223 = vector.extract %slice3A_222[0] : i32 from vector<1xi32>
      %dma_start3A_224 = arith.constant 0 : i32
      %dma_start3A_225 = tpu.memref_slice %arg10[%add3A_221, %dma_start3A_224] : memref<512x32xf32, #tpu.memory_space<vmem>> -> memref<1x32xf32, #tpu.memory_space<vmem>>
      %dma_start3A_226 = arith.constant 0 : i32
      %dma_start3A_227 = tpu.memref_slice %arg5[%squeeze3A_223, %dma_start3A_226] : memref<100001x32xf32, #tpu.memory_space<hbm>> -> memref<1x32xf32, #tpu.memory_space<hbm>>
      %dma_start3A_228 = arith.constant 0 : i32
      %dma_start3A_229 = tpu.memref_slice %arg10[%add3A_221, %dma_start3A_228] : memref<512x32xf32, #tpu.memory_space<vmem>> -> memref<1x32xf32, #tpu.memory_space<vmem>>
      %dma_start3A_230 = arith.constant 0 : i32
      %dma_start3A_231 = tpu.memref_slice %arg5[%squeeze3A_223, %dma_start3A_230] : memref<100001x32xf32, #tpu.memory_space<hbm>> -> memref<1x32xf32, #tpu.memory_space<hbm>>
      tpu.enqueue_dma source(%dma_start3A_231 : memref<1x32xf32, #tpu.memory_space<hbm>>) target(%dma_start3A_229 : memref<1x32xf32, #tpu.memory_space<vmem>>) target_semaphore(%arg13 : memref<!tpu.dma_semaphore, #tpu.memory_space<semaphore_mem>>)
      %mul3A_232 = arith.constant 16 : i32
      %mul3A_233 = arith.muli %scan3A_46, %mul3A_232 : i32
      %add3A_234 = arith.constant 13 : i32
      %add3A_235 = arith.addi %mul3A_233, %add3A_234 : i32
      %slice3A_236 = vector.extract_strided_slice %get3A_50 {offsets = [13], sizes = [1], strides = [1]} : vector<16xi32> to vector<1xi32>
      %squeeze3A_237 = vector.extract %slice3A_236[0] : i32 from vector<1xi32>
      %dma_start3A_238 = arith.constant 0 : i32
      %dma_start3A_239 = tpu.memref_slice %arg10[%add3A_235, %dma_start3A_238] : memref<512x32xf32, #tpu.memory_space<vmem>> -> memref<1x32xf32, #tpu.memory_space<vmem>>
      %dma_start3A_240 = arith.constant 0 : i32
      %dma_start3A_241 = tpu.memref_slice %arg5[%squeeze3A_237, %dma_start3A_240] : memref<100001x32xf32, #tpu.memory_space<hbm>> -> memref<1x32xf32, #tpu.memory_space<hbm>>
      %dma_start3A_242 = arith.constant 0 : i32
      %dma_start3A_243 = tpu.memref_slice %arg10[%add3A_235, %dma_start3A_242] : memref<512x32xf32, #tpu.memory_space<vmem>> -> memref<1x32xf32, #tpu.memory_space<vmem>>
      %dma_start3A_244 = arith.constant 0 : i32
      %dma_start3A_245 = tpu.memref_slice %arg5[%squeeze3A_237, %dma_start3A_244] : memref<100001x32xf32, #tpu.memory_space<hbm>> -> memref<1x32xf32, #tpu.memory_space<hbm>>
      tpu.enqueue_dma source(%dma_start3A_245 : memref<1x32xf32, #tpu.memory_space<hbm>>) target(%dma_start3A_243 : memref<1x32xf32, #tpu.memory_space<vmem>>) target_semaphore(%arg13 : memref<!tpu.dma_semaphore, #tpu.memory_space<semaphore_mem>>)
      %mul3A_246 = arith.constant 16 : i32
      %mul3A_247 = arith.muli %scan3A_46, %mul3A_246 : i32
      %add3A_248 = arith.constant 14 : i32
      %add3A_249 = arith.addi %mul3A_247, %add3A_248 : i32
      %slice3A_250 = vector.extract_strided_slice %get3A_50 {offsets = [14], sizes = [1], strides = [1]} : vector<16xi32> to vector<1xi32>
      %squeeze3A_251 = vector.extract %slice3A_250[0] : i32 from vector<1xi32>
      %dma_start3A_252 = arith.constant 0 : i32
      %dma_start3A_253 = tpu.memref_slice %arg10[%add3A_249, %dma_start3A_252] : memref<512x32xf32, #tpu.memory_space<vmem>> -> memref<1x32xf32, #tpu.memory_space<vmem>>
      %dma_start3A_254 = arith.constant 0 : i32
      %dma_start3A_255 = tpu.memref_slice %arg5[%squeeze3A_251, %dma_start3A_254] : memref<100001x32xf32, #tpu.memory_space<hbm>> -> memref<1x32xf32, #tpu.memory_space<hbm>>
      %dma_start3A_256 = arith.constant 0 : i32
      %dma_start3A_257 = tpu.memref_slice %arg10[%add3A_249, %dma_start3A_256] : memref<512x32xf32, #tpu.memory_space<vmem>> -> memref<1x32xf32, #tpu.memory_space<vmem>>
      %dma_start3A_258 = arith.constant 0 : i32
      %dma_start3A_259 = tpu.memref_slice %arg5[%squeeze3A_251, %dma_start3A_258] : memref<100001x32xf32, #tpu.memory_space<hbm>> -> memref<1x32xf32, #tpu.memory_space<hbm>>
      tpu.enqueue_dma source(%dma_start3A_259 : memref<1x32xf32, #tpu.memory_space<hbm>>) target(%dma_start3A_257 : memref<1x32xf32, #tpu.memory_space<vmem>>) target_semaphore(%arg13 : memref<!tpu.dma_semaphore, #tpu.memory_space<semaphore_mem>>)
      %mul3A_260 = arith.constant 16 : i32
      %mul3A_261 = arith.muli %scan3A_46, %mul3A_260 : i32
      %add3A_262 = arith.constant 15 : i32
      %add3A_263 = arith.addi %mul3A_261, %add3A_262 : i32
      %slice3A_264 = vector.extract_strided_slice %get3A_50 {offsets = [15], sizes = [1], strides = [1]} : vector<16xi32> to vector<1xi32>
      %squeeze3A_265 = vector.extract %slice3A_264[0] : i32 from vector<1xi32>
      %dma_start3A_266 = arith.constant 0 : i32
      %dma_start3A_267 = tpu.memref_slice %arg10[%add3A_263, %dma_start3A_266] : memref<512x32xf32, #tpu.memory_space<vmem>> -> memref<1x32xf32, #tpu.memory_space<vmem>>
      %dma_start3A_268 = arith.constant 0 : i32
      %dma_start3A_269 = tpu.memref_slice %arg5[%squeeze3A_265, %dma_start3A_268] : memref<100001x32xf32, #tpu.memory_space<hbm>> -> memref<1x32xf32, #tpu.memory_space<hbm>>
      %dma_start3A_270 = arith.constant 0 : i32
      %dma_start3A_271 = tpu.memref_slice %arg10[%add3A_263, %dma_start3A_270] : memref<512x32xf32, #tpu.memory_space<vmem>> -> memref<1x32xf32, #tpu.memory_space<vmem>>
      %dma_start3A_272 = arith.constant 0 : i32
      %dma_start3A_273 = tpu.memref_slice %arg5[%squeeze3A_265, %dma_start3A_272] : memref<100001x32xf32, #tpu.memory_space<hbm>> -> memref<1x32xf32, #tpu.memory_space<hbm>>
      tpu.enqueue_dma source(%dma_start3A_273 : memref<1x32xf32, #tpu.memory_space<hbm>>) target(%dma_start3A_271 : memref<1x32xf32, #tpu.memory_space<vmem>>) target_semaphore(%arg13 : memref<!tpu.dma_semaphore, #tpu.memory_space<semaphore_mem>>)
    }
    %scan3A_33 = arith.constant 32 : i32
    %dma_wait3A_34 = arith.constant 0 : i32
    %dma_wait3A_35 = arith.constant 0 : i32
    %dma_wait3A_36 = tpu.memref_slice %arg5[%dma_wait3A_34, %dma_wait3A_35] : memref<100001x32xf32, #tpu.memory_space<hbm>> -> memref<512x32xf32, #tpu.memory_space<hbm>>
    %dma_wait3A_37 = arith.constant 0 : i32
    %dma_wait3A_38 = arith.constant 0 : i32
    %dma_wait3A_39 = tpu.memref_slice %arg5[%dma_wait3A_37, %dma_wait3A_38] : memref<100001x32xf32, #tpu.memory_space<hbm>> -> memref<512x32xf32, #tpu.memory_space<hbm>>
    tpu.wait_dma2 semaphore(%arg13 : memref<!tpu.dma_semaphore, #tpu.memory_space<semaphore_mem>>) src(%dma_wait3A_39 : memref<512x32xf32, #tpu.memory_space<hbm>>) dst(%arg10 : memref<512x32xf32, #tpu.memory_space<vmem>>)
    %scan3A_40 = arith.constant 0 : i32
    %scan3A_41 = arith.constant 0 : i32
    %scan3A_42 = arith.constant 32 : i32
    %scan3A_43 = arith.addi %scan3A_41, %scan3A_42 : i32
    %scan3A_44 = arith.constant 1 : i32
    scf.for %scan3A_46 = %scan3A_41 to %scan3A_43 step %scan3A_44  : i32 {
      %mul3A_47 = arith.constant 16 : i32
      %mul3A_48 = arith.muli %scan3A_46, %mul3A_47 : i32
      %iota3A = tpu.iota {dimensions = array<i32: 0>} : vector<16xi32>
      %add3A_49 = vector.broadcast %mul3A_48 : i32 to vector<16xi32>
      %add3A_50 = arith.addi %add3A_49, %iota3A : vector<16xi32>
      %mul3A_51 = arith.constant 16 : i32
      %mul3A_52 = arith.muli %scan3A_46, %mul3A_51 : i32
      %get3A_53 = arith.index_cast %mul3A_52 : i32 to index
      %get3A_54 = tpu.vector_load %arg12[%get3A_53] {strides = array<i32>} : memref<512xf32, #tpu.memory_space<vmem>>, vector<16xf32>,
      %broadcast_in_dim3A = arith.constant 0 : i32
      %broadcast_in_dim3A_55 = vector.broadcast %broadcast_in_dim3A : i32 to vector<16xi32>
      %slice3A_56 = vector.extract_strided_slice %get3A_7 {offsets = [0], sizes = [1], strides = [1]} : vector<16xf32> to vector<1xf32>
      %squeeze3A_57 = vector.extract %slice3A_56[0] : f32 from vector<1xf32>
      %gather3A = tpu.vector_load_idx %arg10[%add3A_50, %broadcast_in_dim3A_55] : memref<512x32xf32, #tpu.memory_space<vmem>>[vector<16xi32>, vector<16xi32>], vector<16xf32>,
      %mul3A_58 = vector.broadcast %squeeze3A_57 : f32 to vector<16xf32>
      %mul3A_59 = arith.mulf %gather3A, %mul3A_58 : vector<16xf32>
      %add3A_60 = arith.addf %get3A_54, %mul3A_59 : vector<16xf32>
      %broadcast_in_dim3A_61 = arith.constant 1 : i32
      %broadcast_in_dim3A_62 = vector.broadcast %broadcast_in_dim3A_61 : i32 to vector<16xi32>
      %slice3A_63 = vector.extract_strided_slice %get3A_7 {offsets = [1], sizes = [1], strides = [1]} : vector<16xf32> to vector<1xf32>
      %squeeze3A_64 = vector.extract %slice3A_63[0] : f32 from vector<1xf32>
      %gather3A_65 = tpu.vector_load_idx %arg10[%add3A_50, %broadcast_in_dim3A_62] : memref<512x32xf32, #tpu.memory_space<vmem>>[vector<16xi32>, vector<16xi32>], vector<16xf32>,
      %mul3A_66 = vector.broadcast %squeeze3A_64 : f32 to vector<16xf32>
      %mul3A_67 = arith.mulf %gather3A_65, %mul3A_66 : vector<16xf32>
      %add3A_68 = arith.addf %add3A_60, %mul3A_67 : vector<16xf32>
      %broadcast_in_dim3A_69 = arith.constant 2 : i32
      %broadcast_in_dim3A_70 = vector.broadcast %broadcast_in_dim3A_69 : i32 to vector<16xi32>
      %slice3A_71 = vector.extract_strided_slice %get3A_7 {offsets = [2], sizes = [1], strides = [1]} : vector<16xf32> to vector<1xf32>
      %squeeze3A_72 = vector.extract %slice3A_71[0] : f32 from vector<1xf32>
      %gather3A_73 = tpu.vector_load_idx %arg10[%add3A_50, %broadcast_in_dim3A_70] : memref<512x32xf32, #tpu.memory_space<vmem>>[vector<16xi32>, vector<16xi32>], vector<16xf32>,
      %mul3A_74 = vector.broadcast %squeeze3A_72 : f32 to vector<16xf32>
      %mul3A_75 = arith.mulf %gather3A_73, %mul3A_74 : vector<16xf32>
      %add3A_76 = arith.addf %add3A_68, %mul3A_75 : vector<16xf32>
      %broadcast_in_dim3A_77 = arith.constant 3 : i32
      %broadcast_in_dim3A_78 = vector.broadcast %broadcast_in_dim3A_77 : i32 to vector<16xi32>
      %slice3A_79 = vector.extract_strided_slice %get3A_7 {offsets = [3], sizes = [1], strides = [1]} : vector<16xf32> to vector<1xf32>
      %squeeze3A_80 = vector.extract %slice3A_79[0] : f32 from vector<1xf32>
      %gather3A_81 = tpu.vector_load_idx %arg10[%add3A_50, %broadcast_in_dim3A_78] : memref<512x32xf32, #tpu.memory_space<vmem>>[vector<16xi32>, vector<16xi32>], vector<16xf32>,
      %mul3A_82 = vector.broadcast %squeeze3A_80 : f32 to vector<16xf32>
      %mul3A_83 = arith.mulf %gather3A_81, %mul3A_82 : vector<16xf32>
      %add3A_84 = arith.addf %add3A_76, %mul3A_83 : vector<16xf32>
      %broadcast_in_dim3A_85 = arith.constant 4 : i32
      %broadcast_in_dim3A_86 = vector.broadcast %broadcast_in_dim3A_85 : i32 to vector<16xi32>
      %slice3A_87 = vector.extract_strided_slice %get3A_7 {offsets = [4], sizes = [1], strides = [1]} : vector<16xf32> to vector<1xf32>
      %squeeze3A_88 = vector.extract %slice3A_87[0] : f32 from vector<1xf32>
      %gather3A_89 = tpu.vector_load_idx %arg10[%add3A_50, %broadcast_in_dim3A_86] : memref<512x32xf32, #tpu.memory_space<vmem>>[vector<16xi32>, vector<16xi32>], vector<16xf32>,
      %mul3A_90 = vector.broadcast %squeeze3A_88 : f32 to vector<16xf32>
      %mul3A_91 = arith.mulf %gather3A_89, %mul3A_90 : vector<16xf32>
      %add3A_92 = arith.addf %add3A_84, %mul3A_91 : vector<16xf32>
      %broadcast_in_dim3A_93 = arith.constant 5 : i32
      %broadcast_in_dim3A_94 = vector.broadcast %broadcast_in_dim3A_93 : i32 to vector<16xi32>
      %slice3A_95 = vector.extract_strided_slice %get3A_7 {offsets = [5], sizes = [1], strides = [1]} : vector<16xf32> to vector<1xf32>
      %squeeze3A_96 = vector.extract %slice3A_95[0] : f32 from vector<1xf32>
      %gather3A_97 = tpu.vector_load_idx %arg10[%add3A_50, %broadcast_in_dim3A_94] : memref<512x32xf32, #tpu.memory_space<vmem>>[vector<16xi32>, vector<16xi32>], vector<16xf32>,
      %mul3A_98 = vector.broadcast %squeeze3A_96 : f32 to vector<16xf32>
      %mul3A_99 = arith.mulf %gather3A_97, %mul3A_98 : vector<16xf32>
      %add3A_100 = arith.addf %add3A_92, %mul3A_99 : vector<16xf32>
      %broadcast_in_dim3A_101 = arith.constant 6 : i32
      %broadcast_in_dim3A_102 = vector.broadcast %broadcast_in_dim3A_101 : i32 to vector<16xi32>
      %slice3A_103 = vector.extract_strided_slice %get3A_7 {offsets = [6], sizes = [1], strides = [1]} : vector<16xf32> to vector<1xf32>
      %squeeze3A_104 = vector.extract %slice3A_103[0] : f32 from vector<1xf32>
      %gather3A_105 = tpu.vector_load_idx %arg10[%add3A_50, %broadcast_in_dim3A_102] : memref<512x32xf32, #tpu.memory_space<vmem>>[vector<16xi32>, vector<16xi32>], vector<16xf32>,
      %mul3A_106 = vector.broadcast %squeeze3A_104 : f32 to vector<16xf32>
      %mul3A_107 = arith.mulf %gather3A_105, %mul3A_106 : vector<16xf32>
      %add3A_108 = arith.addf %add3A_100, %mul3A_107 : vector<16xf32>
      %broadcast_in_dim3A_109 = arith.constant 7 : i32
      %broadcast_in_dim3A_110 = vector.broadcast %broadcast_in_dim3A_109 : i32 to vector<16xi32>
      %slice3A_111 = vector.extract_strided_slice %get3A_7 {offsets = [7], sizes = [1], strides = [1]} : vector<16xf32> to vector<1xf32>
      %squeeze3A_112 = vector.extract %slice3A_111[0] : f32 from vector<1xf32>
      %gather3A_113 = tpu.vector_load_idx %arg10[%add3A_50, %broadcast_in_dim3A_110] : memref<512x32xf32, #tpu.memory_space<vmem>>[vector<16xi32>, vector<16xi32>], vector<16xf32>,
      %mul3A_114 = vector.broadcast %squeeze3A_112 : f32 to vector<16xf32>
      %mul3A_115 = arith.mulf %gather3A_113, %mul3A_114 : vector<16xf32>
      %add3A_116 = arith.addf %add3A_108, %mul3A_115 : vector<16xf32>
      %broadcast_in_dim3A_117 = arith.constant 8 : i32
      %broadcast_in_dim3A_118 = vector.broadcast %broadcast_in_dim3A_117 : i32 to vector<16xi32>
      %slice3A_119 = vector.extract_strided_slice %get3A_7 {offsets = [8], sizes = [1], strides = [1]} : vector<16xf32> to vector<1xf32>
      %squeeze3A_120 = vector.extract %slice3A_119[0] : f32 from vector<1xf32>
      %gather3A_121 = tpu.vector_load_idx %arg10[%add3A_50, %broadcast_in_dim3A_118] : memref<512x32xf32, #tpu.memory_space<vmem>>[vector<16xi32>, vector<16xi32>], vector<16xf32>,
      %mul3A_122 = vector.broadcast %squeeze3A_120 : f32 to vector<16xf32>
      %mul3A_123 = arith.mulf %gather3A_121, %mul3A_122 : vector<16xf32>
      %add3A_124 = arith.addf %add3A_116, %mul3A_123 : vector<16xf32>
      %broadcast_in_dim3A_125 = arith.constant 9 : i32
      %broadcast_in_dim3A_126 = vector.broadcast %broadcast_in_dim3A_125 : i32 to vector<16xi32>
      %slice3A_127 = vector.extract_strided_slice %get3A_7 {offsets = [9], sizes = [1], strides = [1]} : vector<16xf32> to vector<1xf32>
      %squeeze3A_128 = vector.extract %slice3A_127[0] : f32 from vector<1xf32>
      %gather3A_129 = tpu.vector_load_idx %arg10[%add3A_50, %broadcast_in_dim3A_126] : memref<512x32xf32, #tpu.memory_space<vmem>>[vector<16xi32>, vector<16xi32>], vector<16xf32>,
      %mul3A_130 = vector.broadcast %squeeze3A_128 : f32 to vector<16xf32>
      %mul3A_131 = arith.mulf %gather3A_129, %mul3A_130 : vector<16xf32>
      %add3A_132 = arith.addf %add3A_124, %mul3A_131 : vector<16xf32>
      %broadcast_in_dim3A_133 = arith.constant 10 : i32
      %broadcast_in_dim3A_134 = vector.broadcast %broadcast_in_dim3A_133 : i32 to vector<16xi32>
      %slice3A_135 = vector.extract_strided_slice %get3A_7 {offsets = [10], sizes = [1], strides = [1]} : vector<16xf32> to vector<1xf32>
      %squeeze3A_136 = vector.extract %slice3A_135[0] : f32 from vector<1xf32>
      %gather3A_137 = tpu.vector_load_idx %arg10[%add3A_50, %broadcast_in_dim3A_134] : memref<512x32xf32, #tpu.memory_space<vmem>>[vector<16xi32>, vector<16xi32>], vector<16xf32>,
      %mul3A_138 = vector.broadcast %squeeze3A_136 : f32 to vector<16xf32>
      %mul3A_139 = arith.mulf %gather3A_137, %mul3A_138 : vector<16xf32>
      %add3A_140 = arith.addf %add3A_132, %mul3A_139 : vector<16xf32>
      %broadcast_in_dim3A_141 = arith.constant 11 : i32
      %broadcast_in_dim3A_142 = vector.broadcast %broadcast_in_dim3A_141 : i32 to vector<16xi32>
      %slice3A_143 = vector.extract_strided_slice %get3A_7 {offsets = [11], sizes = [1], strides = [1]} : vector<16xf32> to vector<1xf32>
      %squeeze3A_144 = vector.extract %slice3A_143[0] : f32 from vector<1xf32>
      %gather3A_145 = tpu.vector_load_idx %arg10[%add3A_50, %broadcast_in_dim3A_142] : memref<512x32xf32, #tpu.memory_space<vmem>>[vector<16xi32>, vector<16xi32>], vector<16xf32>,
      %mul3A_146 = vector.broadcast %squeeze3A_144 : f32 to vector<16xf32>
      %mul3A_147 = arith.mulf %gather3A_145, %mul3A_146 : vector<16xf32>
      %add3A_148 = arith.addf %add3A_140, %mul3A_147 : vector<16xf32>
      %broadcast_in_dim3A_149 = arith.constant 12 : i32
      %broadcast_in_dim3A_150 = vector.broadcast %broadcast_in_dim3A_149 : i32 to vector<16xi32>
      %slice3A_151 = vector.extract_strided_slice %get3A_7 {offsets = [12], sizes = [1], strides = [1]} : vector<16xf32> to vector<1xf32>
      %squeeze3A_152 = vector.extract %slice3A_151[0] : f32 from vector<1xf32>
      %gather3A_153 = tpu.vector_load_idx %arg10[%add3A_50, %broadcast_in_dim3A_150] : memref<512x32xf32, #tpu.memory_space<vmem>>[vector<16xi32>, vector<16xi32>], vector<16xf32>,
      %mul3A_154 = vector.broadcast %squeeze3A_152 : f32 to vector<16xf32>
      %mul3A_155 = arith.mulf %gather3A_153, %mul3A_154 : vector<16xf32>
      %add3A_156 = arith.addf %add3A_148, %mul3A_155 : vector<16xf32>
      %broadcast_in_dim3A_157 = arith.constant 13 : i32
      %broadcast_in_dim3A_158 = vector.broadcast %broadcast_in_dim3A_157 : i32 to vector<16xi32>
      %slice3A_159 = vector.extract_strided_slice %get3A_7 {offsets = [13], sizes = [1], strides = [1]} : vector<16xf32> to vector<1xf32>
      %squeeze3A_160 = vector.extract %slice3A_159[0] : f32 from vector<1xf32>
      %gather3A_161 = tpu.vector_load_idx %arg10[%add3A_50, %broadcast_in_dim3A_158] : memref<512x32xf32, #tpu.memory_space<vmem>>[vector<16xi32>, vector<16xi32>], vector<16xf32>,
      %mul3A_162 = vector.broadcast %squeeze3A_160 : f32 to vector<16xf32>
      %mul3A_163 = arith.mulf %gather3A_161, %mul3A_162 : vector<16xf32>
      %add3A_164 = arith.addf %add3A_156, %mul3A_163 : vector<16xf32>
      %broadcast_in_dim3A_165 = arith.constant 14 : i32
      %broadcast_in_dim3A_166 = vector.broadcast %broadcast_in_dim3A_165 : i32 to vector<16xi32>
      %slice3A_167 = vector.extract_strided_slice %get3A_7 {offsets = [14], sizes = [1], strides = [1]} : vector<16xf32> to vector<1xf32>
      %squeeze3A_168 = vector.extract %slice3A_167[0] : f32 from vector<1xf32>
      %gather3A_169 = tpu.vector_load_idx %arg10[%add3A_50, %broadcast_in_dim3A_166] : memref<512x32xf32, #tpu.memory_space<vmem>>[vector<16xi32>, vector<16xi32>], vector<16xf32>,
      %mul3A_170 = vector.broadcast %squeeze3A_168 : f32 to vector<16xf32>
      %mul3A_171 = arith.mulf %gather3A_169, %mul3A_170 : vector<16xf32>
      %add3A_172 = arith.addf %add3A_164, %mul3A_171 : vector<16xf32>
      %broadcast_in_dim3A_173 = arith.constant 15 : i32
      %broadcast_in_dim3A_174 = vector.broadcast %broadcast_in_dim3A_173 : i32 to vector<16xi32>
      %slice3A_175 = vector.extract_strided_slice %get3A_7 {offsets = [15], sizes = [1], strides = [1]} : vector<16xf32> to vector<1xf32>
      %squeeze3A_176 = vector.extract %slice3A_175[0] : f32 from vector<1xf32>
      %gather3A_177 = tpu.vector_load_idx %arg10[%add3A_50, %broadcast_in_dim3A_174] : memref<512x32xf32, #tpu.memory_space<vmem>>[vector<16xi32>, vector<16xi32>], vector<16xf32>,
      %mul3A_178 = vector.broadcast %squeeze3A_176 : f32 to vector<16xf32>
      %mul3A_179 = arith.mulf %gather3A_177, %mul3A_178 : vector<16xf32>
      %add3A_180 = arith.addf %add3A_172, %mul3A_179 : vector<16xf32>
      %broadcast_in_dim3A_181 = arith.constant 16 : i32
      %broadcast_in_dim3A_182 = vector.broadcast %broadcast_in_dim3A_181 : i32 to vector<16xi32>
      %slice3A_183 = vector.extract_strided_slice %get3A_9 {offsets = [0], sizes = [1], strides = [1]} : vector<16xf32> to vector<1xf32>
      %squeeze3A_184 = vector.extract %slice3A_183[0] : f32 from vector<1xf32>
      %gather3A_185 = tpu.vector_load_idx %arg10[%add3A_50, %broadcast_in_dim3A_182] : memref<512x32xf32, #tpu.memory_space<vmem>>[vector<16xi32>, vector<16xi32>], vector<16xf32>,
      %mul3A_186 = vector.broadcast %squeeze3A_184 : f32 to vector<16xf32>
      %mul3A_187 = arith.mulf %gather3A_185, %mul3A_186 : vector<16xf32>
      %add3A_188 = arith.addf %add3A_180, %mul3A_187 : vector<16xf32>
      %broadcast_in_dim3A_189 = arith.constant 17 : i32
      %broadcast_in_dim3A_190 = vector.broadcast %broadcast_in_dim3A_189 : i32 to vector<16xi32>
      %slice3A_191 = vector.extract_strided_slice %get3A_9 {offsets = [1], sizes = [1], strides = [1]} : vector<16xf32> to vector<1xf32>
      %squeeze3A_192 = vector.extract %slice3A_191[0] : f32 from vector<1xf32>
      %gather3A_193 = tpu.vector_load_idx %arg10[%add3A_50, %broadcast_in_dim3A_190] : memref<512x32xf32, #tpu.memory_space<vmem>>[vector<16xi32>, vector<16xi32>], vector<16xf32>,
      %mul3A_194 = vector.broadcast %squeeze3A_192 : f32 to vector<16xf32>
      %mul3A_195 = arith.mulf %gather3A_193, %mul3A_194 : vector<16xf32>
      %add3A_196 = arith.addf %add3A_188, %mul3A_195 : vector<16xf32>
      %broadcast_in_dim3A_197 = arith.constant 18 : i32
      %broadcast_in_dim3A_198 = vector.broadcast %broadcast_in_dim3A_197 : i32 to vector<16xi32>
      %slice3A_199 = vector.extract_strided_slice %get3A_9 {offsets = [2], sizes = [1], strides = [1]} : vector<16xf32> to vector<1xf32>
      %squeeze3A_200 = vector.extract %slice3A_199[0] : f32 from vector<1xf32>
      %gather3A_201 = tpu.vector_load_idx %arg10[%add3A_50, %broadcast_in_dim3A_198] : memref<512x32xf32, #tpu.memory_space<vmem>>[vector<16xi32>, vector<16xi32>], vector<16xf32>,
      %mul3A_202 = vector.broadcast %squeeze3A_200 : f32 to vector<16xf32>
      %mul3A_203 = arith.mulf %gather3A_201, %mul3A_202 : vector<16xf32>
      %add3A_204 = arith.addf %add3A_196, %mul3A_203 : vector<16xf32>
      %broadcast_in_dim3A_205 = arith.constant 19 : i32
      %broadcast_in_dim3A_206 = vector.broadcast %broadcast_in_dim3A_205 : i32 to vector<16xi32>
      %slice3A_207 = vector.extract_strided_slice %get3A_9 {offsets = [3], sizes = [1], strides = [1]} : vector<16xf32> to vector<1xf32>
      %squeeze3A_208 = vector.extract %slice3A_207[0] : f32 from vector<1xf32>
      %gather3A_209 = tpu.vector_load_idx %arg10[%add3A_50, %broadcast_in_dim3A_206] : memref<512x32xf32, #tpu.memory_space<vmem>>[vector<16xi32>, vector<16xi32>], vector<16xf32>,
      %mul3A_210 = vector.broadcast %squeeze3A_208 : f32 to vector<16xf32>
      %mul3A_211 = arith.mulf %gather3A_209, %mul3A_210 : vector<16xf32>
      %add3A_212 = arith.addf %add3A_204, %mul3A_211 : vector<16xf32>
      %broadcast_in_dim3A_213 = arith.constant 20 : i32
      %broadcast_in_dim3A_214 = vector.broadcast %broadcast_in_dim3A_213 : i32 to vector<16xi32>
      %slice3A_215 = vector.extract_strided_slice %get3A_9 {offsets = [4], sizes = [1], strides = [1]} : vector<16xf32> to vector<1xf32>
      %squeeze3A_216 = vector.extract %slice3A_215[0] : f32 from vector<1xf32>
      %gather3A_217 = tpu.vector_load_idx %arg10[%add3A_50, %broadcast_in_dim3A_214] : memref<512x32xf32, #tpu.memory_space<vmem>>[vector<16xi32>, vector<16xi32>], vector<16xf32>,
      %mul3A_218 = vector.broadcast %squeeze3A_216 : f32 to vector<16xf32>
      %mul3A_219 = arith.mulf %gather3A_217, %mul3A_218 : vector<16xf32>
      %add3A_220 = arith.addf %add3A_212, %mul3A_219 : vector<16xf32>
      %broadcast_in_dim3A_221 = arith.constant 21 : i32
      %broadcast_in_dim3A_222 = vector.broadcast %broadcast_in_dim3A_221 : i32 to vector<16xi32>
      %slice3A_223 = vector.extract_strided_slice %get3A_9 {offsets = [5], sizes = [1], strides = [1]} : vector<16xf32> to vector<1xf32>
      %squeeze3A_224 = vector.extract %slice3A_223[0] : f32 from vector<1xf32>
      %gather3A_225 = tpu.vector_load_idx %arg10[%add3A_50, %broadcast_in_dim3A_222] : memref<512x32xf32, #tpu.memory_space<vmem>>[vector<16xi32>, vector<16xi32>], vector<16xf32>,
      %mul3A_226 = vector.broadcast %squeeze3A_224 : f32 to vector<16xf32>
      %mul3A_227 = arith.mulf %gather3A_225, %mul3A_226 : vector<16xf32>
      %add3A_228 = arith.addf %add3A_220, %mul3A_227 : vector<16xf32>
      %broadcast_in_dim3A_229 = arith.constant 22 : i32
      %broadcast_in_dim3A_230 = vector.broadcast %broadcast_in_dim3A_229 : i32 to vector<16xi32>
      %slice3A_231 = vector.extract_strided_slice %get3A_9 {offsets = [6], sizes = [1], strides = [1]} : vector<16xf32> to vector<1xf32>
      %squeeze3A_232 = vector.extract %slice3A_231[0] : f32 from vector<1xf32>
      %gather3A_233 = tpu.vector_load_idx %arg10[%add3A_50, %broadcast_in_dim3A_230] : memref<512x32xf32, #tpu.memory_space<vmem>>[vector<16xi32>, vector<16xi32>], vector<16xf32>,
      %mul3A_234 = vector.broadcast %squeeze3A_232 : f32 to vector<16xf32>
      %mul3A_235 = arith.mulf %gather3A_233, %mul3A_234 : vector<16xf32>
      %add3A_236 = arith.addf %add3A_228, %mul3A_235 : vector<16xf32>
      %broadcast_in_dim3A_237 = arith.constant 23 : i32
      %broadcast_in_dim3A_238 = vector.broadcast %broadcast_in_dim3A_237 : i32 to vector<16xi32>
      %slice3A_239 = vector.extract_strided_slice %get3A_9 {offsets = [7], sizes = [1], strides = [1]} : vector<16xf32> to vector<1xf32>
      %squeeze3A_240 = vector.extract %slice3A_239[0] : f32 from vector<1xf32>
      %gather3A_241 = tpu.vector_load_idx %arg10[%add3A_50, %broadcast_in_dim3A_238] : memref<512x32xf32, #tpu.memory_space<vmem>>[vector<16xi32>, vector<16xi32>], vector<16xf32>,
      %mul3A_242 = vector.broadcast %squeeze3A_240 : f32 to vector<16xf32>
      %mul3A_243 = arith.mulf %gather3A_241, %mul3A_242 : vector<16xf32>
      %add3A_244 = arith.addf %add3A_236, %mul3A_243 : vector<16xf32>
      %broadcast_in_dim3A_245 = arith.constant 24 : i32
      %broadcast_in_dim3A_246 = vector.broadcast %broadcast_in_dim3A_245 : i32 to vector<16xi32>
      %slice3A_247 = vector.extract_strided_slice %get3A_9 {offsets = [8], sizes = [1], strides = [1]} : vector<16xf32> to vector<1xf32>
      %squeeze3A_248 = vector.extract %slice3A_247[0] : f32 from vector<1xf32>
      %gather3A_249 = tpu.vector_load_idx %arg10[%add3A_50, %broadcast_in_dim3A_246] : memref<512x32xf32, #tpu.memory_space<vmem>>[vector<16xi32>, vector<16xi32>], vector<16xf32>,
      %mul3A_250 = vector.broadcast %squeeze3A_248 : f32 to vector<16xf32>
      %mul3A_251 = arith.mulf %gather3A_249, %mul3A_250 : vector<16xf32>
      %add3A_252 = arith.addf %add3A_244, %mul3A_251 : vector<16xf32>
      %broadcast_in_dim3A_253 = arith.constant 25 : i32
      %broadcast_in_dim3A_254 = vector.broadcast %broadcast_in_dim3A_253 : i32 to vector<16xi32>
      %slice3A_255 = vector.extract_strided_slice %get3A_9 {offsets = [9], sizes = [1], strides = [1]} : vector<16xf32> to vector<1xf32>
      %squeeze3A_256 = vector.extract %slice3A_255[0] : f32 from vector<1xf32>
      %gather3A_257 = tpu.vector_load_idx %arg10[%add3A_50, %broadcast_in_dim3A_254] : memref<512x32xf32, #tpu.memory_space<vmem>>[vector<16xi32>, vector<16xi32>], vector<16xf32>,
      %mul3A_258 = vector.broadcast %squeeze3A_256 : f32 to vector<16xf32>
      %mul3A_259 = arith.mulf %gather3A_257, %mul3A_258 : vector<16xf32>
      %add3A_260 = arith.addf %add3A_252, %mul3A_259 : vector<16xf32>
      %broadcast_in_dim3A_261 = arith.constant 26 : i32
      %broadcast_in_dim3A_262 = vector.broadcast %broadcast_in_dim3A_261 : i32 to vector<16xi32>
      %slice3A_263 = vector.extract_strided_slice %get3A_9 {offsets = [10], sizes = [1], strides = [1]} : vector<16xf32> to vector<1xf32>
      %squeeze3A_264 = vector.extract %slice3A_263[0] : f32 from vector<1xf32>
      %gather3A_265 = tpu.vector_load_idx %arg10[%add3A_50, %broadcast_in_dim3A_262] : memref<512x32xf32, #tpu.memory_space<vmem>>[vector<16xi32>, vector<16xi32>], vector<16xf32>,
      %mul3A_266 = vector.broadcast %squeeze3A_264 : f32 to vector<16xf32>
      %mul3A_267 = arith.mulf %gather3A_265, %mul3A_266 : vector<16xf32>
      %add3A_268 = arith.addf %add3A_260, %mul3A_267 : vector<16xf32>
      %broadcast_in_dim3A_269 = arith.constant 27 : i32
      %broadcast_in_dim3A_270 = vector.broadcast %broadcast_in_dim3A_269 : i32 to vector<16xi32>
      %slice3A_271 = vector.extract_strided_slice %get3A_9 {offsets = [11], sizes = [1], strides = [1]} : vector<16xf32> to vector<1xf32>
      %squeeze3A_272 = vector.extract %slice3A_271[0] : f32 from vector<1xf32>
      %gather3A_273 = tpu.vector_load_idx %arg10[%add3A_50, %broadcast_in_dim3A_270] : memref<512x32xf32, #tpu.memory_space<vmem>>[vector<16xi32>, vector<16xi32>], vector<16xf32>,
      %mul3A_274 = vector.broadcast %squeeze3A_272 : f32 to vector<16xf32>
      %mul3A_275 = arith.mulf %gather3A_273, %mul3A_274 : vector<16xf32>
      %add3A_276 = arith.addf %add3A_268, %mul3A_275 : vector<16xf32>
      %broadcast_in_dim3A_277 = arith.constant 28 : i32
      %broadcast_in_dim3A_278 = vector.broadcast %broadcast_in_dim3A_277 : i32 to vector<16xi32>
      %slice3A_279 = vector.extract_strided_slice %get3A_9 {offsets = [12], sizes = [1], strides = [1]} : vector<16xf32> to vector<1xf32>
      %squeeze3A_280 = vector.extract %slice3A_279[0] : f32 from vector<1xf32>
      %gather3A_281 = tpu.vector_load_idx %arg10[%add3A_50, %broadcast_in_dim3A_278] : memref<512x32xf32, #tpu.memory_space<vmem>>[vector<16xi32>, vector<16xi32>], vector<16xf32>,
      %mul3A_282 = vector.broadcast %squeeze3A_280 : f32 to vector<16xf32>
      %mul3A_283 = arith.mulf %gather3A_281, %mul3A_282 : vector<16xf32>
      %add3A_284 = arith.addf %add3A_276, %mul3A_283 : vector<16xf32>
      %broadcast_in_dim3A_285 = arith.constant 29 : i32
      %broadcast_in_dim3A_286 = vector.broadcast %broadcast_in_dim3A_285 : i32 to vector<16xi32>
      %slice3A_287 = vector.extract_strided_slice %get3A_9 {offsets = [13], sizes = [1], strides = [1]} : vector<16xf32> to vector<1xf32>
      %squeeze3A_288 = vector.extract %slice3A_287[0] : f32 from vector<1xf32>
      %gather3A_289 = tpu.vector_load_idx %arg10[%add3A_50, %broadcast_in_dim3A_286] : memref<512x32xf32, #tpu.memory_space<vmem>>[vector<16xi32>, vector<16xi32>], vector<16xf32>,
      %mul3A_290 = vector.broadcast %squeeze3A_288 : f32 to vector<16xf32>
      %mul3A_291 = arith.mulf %gather3A_289, %mul3A_290 : vector<16xf32>
      %add3A_292 = arith.addf %add3A_284, %mul3A_291 : vector<16xf32>
      %broadcast_in_dim3A_293 = arith.constant 30 : i32
      %broadcast_in_dim3A_294 = vector.broadcast %broadcast_in_dim3A_293 : i32 to vector<16xi32>
      %slice3A_295 = vector.extract_strided_slice %get3A_9 {offsets = [14], sizes = [1], strides = [1]} : vector<16xf32> to vector<1xf32>
      %squeeze3A_296 = vector.extract %slice3A_295[0] : f32 from vector<1xf32>
      %gather3A_297 = tpu.vector_load_idx %arg10[%add3A_50, %broadcast_in_dim3A_294] : memref<512x32xf32, #tpu.memory_space<vmem>>[vector<16xi32>, vector<16xi32>], vector<16xf32>,
      %mul3A_298 = vector.broadcast %squeeze3A_296 : f32 to vector<16xf32>
      %mul3A_299 = arith.mulf %gather3A_297, %mul3A_298 : vector<16xf32>
      %add3A_300 = arith.addf %add3A_292, %mul3A_299 : vector<16xf32>
      %broadcast_in_dim3A_301 = arith.constant 31 : i32
      %broadcast_in_dim3A_302 = vector.broadcast %broadcast_in_dim3A_301 : i32 to vector<16xi32>
      %slice3A_303 = vector.extract_strided_slice %get3A_9 {offsets = [15], sizes = [1], strides = [1]} : vector<16xf32> to vector<1xf32>
      %squeeze3A_304 = vector.extract %slice3A_303[0] : f32 from vector<1xf32>
      %gather3A_305 = tpu.vector_load_idx %arg10[%add3A_50, %broadcast_in_dim3A_302] : memref<512x32xf32, #tpu.memory_space<vmem>>[vector<16xi32>, vector<16xi32>], vector<16xf32>,
      %mul3A_306 = vector.broadcast %squeeze3A_304 : f32 to vector<16xf32>
      %mul3A_307 = arith.mulf %gather3A_305, %mul3A_306 : vector<16xf32>
      %add3A_308 = arith.addf %add3A_300, %mul3A_307 : vector<16xf32>
      %mul3A_309 = arith.constant 16 : i32
      %mul3A_310 = arith.muli %scan3A_46, %mul3A_309 : i32
      %swap3A = arith.index_cast %mul3A_310 : i32 to index
      %swap3A_311 = tpu.vector_load %arg12[%swap3A] {strides = array<i32>} : memref<512xf32, #tpu.memory_space<vmem>>, vector<16xf32>,
      tpu.vector_store %arg12[%swap3A], %add3A_308 {strides = array<i32>} : memref<512xf32, #tpu.memory_space<vmem>>, vector<16xf32>,
    }
    %scan3A_45 = arith.constant 32 : i32
    "tpu.region"() ({
      %run_scoped3A = tpu.sem_alloc : memref<!tpu.dma_semaphore, #tpu.memory_space<semaphore_mem>>
      %dma_start3A = tpu.memref_slice %arg7[%mul3A_2] : memref<16384xf32, #tpu.memory_space<hbm>> -> memref<512xf32, #tpu.memory_space<hbm>>
      %dma_start3A_46 = tpu.memref_slice %arg7[%mul3A_2] : memref<16384xf32, #tpu.memory_space<hbm>> -> memref<512xf32, #tpu.memory_space<hbm>>
      tpu.enqueue_dma source(%arg12 : memref<512xf32, #tpu.memory_space<vmem>>) target(%dma_start3A_46 : memref<512xf32, #tpu.memory_space<hbm>>) target_semaphore(%run_scoped3A : memref<!tpu.dma_semaphore, #tpu.memory_space<semaphore_mem>>)
      %dma_wait3A_47 = tpu.memref_slice %arg7[%mul3A_2] : memref<16384xf32, #tpu.memory_space<hbm>> -> memref<512xf32, #tpu.memory_space<hbm>>
      %dma_wait3A_48 = tpu.memref_slice %arg7[%mul3A_2] : memref<16384xf32, #tpu.memory_space<hbm>> -> memref<512xf32, #tpu.memory_space<hbm>>
      tpu.wait_dma2 semaphore(%run_scoped3A : memref<!tpu.dma_semaphore, #tpu.memory_space<semaphore_mem>>) src(%arg12 : memref<512xf32, #tpu.memory_space<vmem>>) dst(%dma_wait3A_48 : memref<512xf32, #tpu.memory_space<hbm>>)
      tpu.yield
    }) : () -> ()
    return
  }
}

</mosaic_0001>

<sc_bundles>
// kernel: kernel.3.cloned.1.call-start
scs
__scs_entry_jumppad:
0x0: {  	(pc) =	sbr.rel $0x88, $3  }
0x1: {  	(tag) =	ssettag $0x0;
	lr =	simm.s32 $0x1  }
0x2: {  	[smem:$0x3F9B] =	sst lr;
	_ =	strace $0xD0000000  }
0x3: {  	_ = 	snop  }
0x4: {  	_ = 	snop  }
0x5: {  	_ = 	snop  }
0x6: {  	_ = 	snop  }
0x7: {  	_ = 	snop  }
__scs_overlays_trampoline_lowered:
0x8: {  	[smem:$0x3FAA] =	sst s0  }
0x9: {  	[smem:$0x3FAB] =	sst s1  }
0xa: {  	[smem:$0x3FAC] =	sst s2  }
0xb: {  	[smem:$0x3FAD] =	sst s3  }
0xc: {  	[smem:$0x3FAE] =	sst s4  }
0xd: {  	[smem:$0x3FAF] =	sst s5  }
0xe: {  	[smem:$0x3FB0] =	sst s6  }
0xf: {  	[smem:$0x3FB1] =	sst s7  }
0x10: {  	[smem:$0x3FB2] =	sst s8  }
0x11: {  	[smem:$0x3FB3] =	sst s9;
	s0 =	simm.s32 @!p0 $0x0  }
0x12: {  	s1 =	sld [smem:$0x3F99];
	s0 =	simm.s32 @p0 $0x1  }
0x13: {  	[smem:$0x3FB4] =	sst s0;
	s0 =	simm.s32 @!p1 $0x0  }
0x14: {  	s2 =	sld [smem:$0x3F98];
	s0 =	simm.s32 @p1 $0x1  }
0x15: {  	[smem:$0x3FB5] =	sst s0;
	s0 =	simm.s32 @!p2 $0x0  }
0x16: {  	s3 =	sld [smem:$0x3FDB];
	s0 =	simm.s32 @p2 $0x1  }
0x17: {  	s4 =	simm.s32 $0x1BF5;
	[smem:$0x3FB7] =	sst s0  }
0x18: {  	s0 =	sld [smem:$0x3F9A];
	_ =	swait.ge [sflag:s4], $0x0  }
0x19: {  	s7 =	sld [smem:$0x3F9B]  }
0x1a: {  	s8 =	sadd.s32 $0xFFFFE003, lr  }
0x1b: {  	s9 =	sadd.s32 $0xFFFFFEF7, lr;
	s5 =	simm.s32 $0xFFFFFFFF;
	p2 =	slt.u32 s8, $0xFFFFF086  }
0x1c: {  	p1 =	slt.u32 s9, $0xF7A;
	s5 =	simm.s32 @!p2 $0x0  }
0x1d: {  	s5 =	simm.s32 @p1 $0x1;
	p0 =	seq.s32 s7, s2  }
0x1e: {  	s7 =	smul.u32 @!p0 $0xF7A, s2;
	p2 =	seq.s32 @!p0 s5, $0x0  }
0x1f: {  	s9 =	smul.u32 $0xF7A, s1;
	s8 =	simm.s32 @!p0 $0x1BF5;
	p2 =	por !p2, p0  }
0x20: {  	[sflag:s8] =	ssyncset.s32 @!p0 $0xFFFFF086;
	s6 =	sadd.s32 @!p0 s3, s7;
	s7 =	simm.s32 @!p0 $0x108  }
0x21: {  	s3 =	sadd.s32 s3, s9;
	s6 =	sadd.s32 @!p0 $0x88, s6;
	s7 =	simm.s32 @p2 $0x1082  }
0x22: {  	[simem:s7], [sflag:s8] =	dma.local @!p0 [hbm:s6], $0xF7A  }
0x23: {  	s9 =	sor.u32 $0xD0000000, s2;
	s6 =	simm.s32 $0x108;
	_ =	swait.ge @!p0 [sflag:s8], $0x0  }
0x24: {  	s3 =	sadd.s32 $0x88, s3;
	s6 =	simm.s32 @!p1 $0x1082;
	[sflag:s4] =	ssyncset.s32 $0xFFFFF086  }
0x25: {  	[simem:s6], [sflag:s4] =	dma.local [hbm:s3], $0xF7A  }
0x26: {  	[smem:$0x3F9B] =	sst s1;
	(tag) =	ssettag s2;
	_ =	strace s9  }
0x27: {  	s1 =	sld [smem:$0x3FAB]  }
0x28: {  	s2 =	sld [smem:$0x3FAC]  }
0x29: {  	s4 =	sld [smem:$0x3FAE]  }
0x2a: {  	p0 =	seq.s32 s5, $0x0;
	s5 =	sld [smem:$0x3FAF]  }
0x2b: {  	s6 =	sld [smem:$0x3FB0]  }
0x2c: {  	s7 =	sld [smem:$0x3FB1]  }
0x2d: {  	s3 =	simm.s32 $0x108;
	s8 =	sld [smem:$0x3FB2]  }
0x2e: {  	s3 =	simm.s32 @!p0 $0x1082;
	s9 =	sld [smem:$0x3FB3]  }
0x2f: {  	lr =	sadd.s32 s0, s3;
	s0 =	sld [smem:$0x3FAA]  }
0x30: {  	s3 =	sld [smem:$0x3FAD]  }
0x31: {  	[smem:$0x3FB6] =	sst s10  }
0x32: {  	s10 =	sld [smem:$0x3FB4];
	_ =	sdelay $0x3  }
0x33: {  	p0 =	seq.s32 s10, $0x1;
	s10 =	sld [smem:$0x3FB6];
	_ =	sdelay $0x3  }
0x34: {  	[smem:$0x3FB6] =	sst s10  }
0x35: {  	s10 =	sld [smem:$0x3FB5];
	_ =	sdelay $0x3  }
0x36: {  	p1 =	seq.s32 s10, $0x1;
	s10 =	sld [smem:$0x3FB6];
	_ =	sdelay $0x3  }
0x37: {  	[smem:$0x3FB6] =	sst s10  }
0x38: {  	s10 =	sld [smem:$0x3FB7]  }
0x39: {  	_ = 	snop;
	(pc) =	sbr.ind lr, $3  }
0x3a: {  	_ = 	snop  }
0x3b: {  	_ = 	snop  }
0x3c: {  	p2 =	seq.s32 s10, $0x1;
	s10 =	sld [smem:$0x3FB6]  }
0x3d: {  	_ =	shalt  }
0x3e: {  	_ =	shalt  }
0x3f: {  	_ =	shalt  }
0x40: {  	_ =	shalt  }
0x41: {  	_ =	shalt  }
0x42: {  	_ =	shalt  }
0x43: {  	_ =	shalt  }
0x44: {  	_ =	shalt  }
0x45: {  	_ =	shalt  }
0x46: {  	_ =	shalt  }
0x47: {  	_ =	shalt  }
0x48: {  	_ =	shalt  }
0x49: {  	_ =	shalt  }
0x4a: {  	_ =	shalt  }
0x4b: {  	_ =	shalt  }
0x4c: {  	_ =	shalt  }
0x4d: {  	_ =	shalt  }
0x4e: {  	_ =	shalt  }
0x4f: {  	_ =	shalt  }
0x50: {  	_ =	shalt  }
0x51: {  	_ =	shalt  }
0x52: {  	_ =	shalt  }
0x53: {  	_ =	shalt  }
0x54: {  	_ =	shalt  }
0x55: {  	_ =	shalt  }
0x56: {  	_ =	shalt  }
0x57: {  	_ =	shalt  }
0x58: {  	_ =	shalt  }
0x59: {  	_ =	shalt  }
0x5a: {  	_ =	shalt  }
0x5b: {  	_ =	shalt  }
0x5c: {  	_ =	shalt  }
0x5d: {  	_ =	shalt  }
0x5e: {  	_ =	shalt  }
0x5f: {  	_ =	shalt  }
0x60: {  	_ =	shalt  }
0x61: {  	_ =	shalt  }
0x62: {  	_ =	shalt  }
0x63: {  	_ =	shalt  }
0x64: {  	_ =	shalt  }
0x65: {  	_ =	shalt  }
0x66: {  	_ =	shalt  }
0x67: {  	_ =	shalt  }
0x68: {  	_ =	shalt  }
0x69: {  	_ =	shalt  }
0x6a: {  	_ =	shalt  }
0x6b: {  	_ =	shalt  }
0x6c: {  	_ =	shalt  }
0x6d: {  	_ =	shalt  }
0x6e: {  	_ =	shalt  }
0x6f: {  	_ =	shalt  }
0x70: {  	_ =	shalt  }
0x71: {  	_ =	shalt  }
0x72: {  	_ =	shalt  }
0x73: {  	_ =	shalt  }
0x74: {  	_ =	shalt  }
0x75: {  	_ =	shalt  }
0x76: {  	_ =	shalt  }
0x77: {  	_ =	shalt  }
0x78: {  	_ =	shalt  }
0x79: {  	_ =	shalt  }
0x7a: {  	_ =	shalt  }
0x7b: {  	_ =	shalt  }
0x7c: {  	_ =	shalt  }
0x7d: {  	_ =	shalt  }
0x7e: {  	_ =	shalt  }
0x7f: {  	_ =	shalt  }
0x80: {  	_ =	shalt  }
0x81: {  	_ =	shalt  }
0x82: {  	_ =	shalt  }
0x83: {  	_ =	shalt  }
0x84: {  	_ =	shalt  }
0x85: {  	_ =	shalt  }
0x86: {  	_ =	shalt  }
0x87: {  	_ =	shalt  }
.Lfunc_end0:
.L_simem_size_0:
called_computation_lowered:
.L_overlay_start_0:
0x88: {  	s2 =	sld [smem:$0x3FD9]  }
0x89: {  	s3 =	sld [smem:$0x3FFE];
	_ =	sdelay $0x1  }
0x8a: {  	s1 =	srdreg.scid  }
0x8b: {  	s0 =	sand.u32 $0x1, s1  }
0x8c: {  	s17 =	sshll.u32 s0, $0xA;
	s2 =	sadd.s32 s3, s2  }
0x8d: {  	s2 =	sadd.s32 s2, s17  }
0x8e: {  	[smem:$0x3FC2] =	sst s2  }
0x8f: {  	_ = 	snop  }
0x90: {  	s2 =	sld [smem:$0x3FC9]  }
0x91: {  	s18 =	sld [smem:$0x3FC8]  }
0x92: {  	s4 =	sld [smem:$0x3FD0];
	(tm) =	ssettm $0x1  }
0x93: {  	s5 =	sld [smem:$0x3FFB];
	_ =	sdelay $0x3  }
0x94: {  	_ =	strace s5  }
0x95: {  	s5 =	sld [smem:$0x3FFC];
	_ =	sdelay $0x3  }
0x96: {  	_ =	strace s5  }
0x97: {  	s5 =	sld [smem:$0x3FFD];
	_ =	sdelay $0x3  }
0x98: {  	_ =	strace s5  }
0x99: {  	_ =	strace $0x8FFFFFFF  }
0x9a: {  	s19 =	sld [smem:$0x3FDB];
	_ =	sdelay $0x1  }
0x9b: {  	s6 =	simm.s32 $_scs_section_size  }
0x9c: {  	s7 =	simm.s32 $_size__tile_overlayer_lowered;
	s8 =	simm.s32 $_tile_overlayer_lowered  }
0x9d: {  	s22 =	simm.s32 $0x1BFF;
	s21 =	sshll.u32 s8, $0x1;
	s5 =	sadd.s32 s6, s19  }
0x9e: {  	s9 =	simm.s32 $0x0;
	s20 =	sshll.u32 s7, $0x1;
	s7 =	sadd.s32 s21, s5  }
0x9f: {  	[timem:s9], [sflag:s22] =	dma.local [hbm:s7], s20  }
0xa0: {  	_ =	swait.ge [sflag:s22], s20  }
0xa1: {  	s6 =	ssub.s32 $0x0, s20;
	[sflag:s22] =	ssyncset.done $0x0  }
0xa2: {  	[sflag:s22] =	ssyncadd.s32 s6;
	_ =	sdelay $0x1  }
0xa3: {  	s23 =	simm.s32 $0x1B8B  }
0xa4: {  	_ =	swait.ge [sflag:s23], $0x1  }
0xa5: {  	[sflag:s23] =	ssyncset.done $0x0  }
0xa6: {  	s25 =	simm.s32 $0x1B8E;
	s24 =	sld [smem:$0x3FFE];
	[sflag:s23] =	ssyncadd.s32 $0xFFFFFFFF  }
0xa7: {  	s26 =	simm.s32 $execute0_lowered;
	[smem:$0x3FD2] =	sst s25  }
0xa8: {  	s7 =	sshll.u32 s26, $0x1;
	_ =	strace $0x80000046;
	[dreg:$0x1] =	wrdreg $0xFFFFFFFF  }
0xa9: {  	s28 =	simm.s32 $_size_execute0_lowered;
	s5 =	sadd.s32 s5, s7;
	[dreg:$0x0] =	wrdreg $0x0  }
0xaa: {  	s7 =	sshll.u32 s28, $0x1;
	[dreg:$0x2] =	wrdreg s5  }
0xab: {  	[dreg:$0x3] =	wrdreg s7  }
0xac: {  	[dreg:$0x4] =	wrdreg $0xC0  }
0xad: {  	_ =	task [dreg:s9], $0x5FFFF  }
0xae: {  	[dreg:$0x1] =	wrdreg $0xFFFFFFFF  }
0xaf: {  	[dreg:$0x0] =	wrdreg $0x60  }
0xb0: {  	[dreg:$0x2] =	wrdreg s2  }
0xb1: {  	[dreg:$0x3] =	wrdreg s18  }
0xb2: {  	[dreg:$0x4] =	wrdreg s24  }
0xb3: {  	[dreg:$0x5] =	wrdreg s4  }
0xb4: {  	[dreg:$0x6] =	wrdreg $0x9  }
0xb5: {  	_ =	task.clear_ibuf [dreg:s9], $0x7FFFF;
	_ =	strace $0x90000046  }
0xb6: {  	s29 =	simm.s32 $0x9;
	_ =	strace $0x80000048  }
0xb7: {  	_ =	swait.ge [sflag:s29], $0x1  }
0xb8: {  	[sflag:s29] =	ssyncadd.s32 $0xFFFFFFFF  }
0xb9: {  	_ =	strace $0x90000048  }
0xba: {  	_ =	sfence  }
0xbb: {  	s30 =	sld [smem:$0x0];
	_ =	sdelay $0x2  }
0xbc: {  	s31 =	sshll.u32 s1, $0xD;
	s1 =	sshrl.u32 s1, $0x2  }
0xbd: {  	s3 =	sand.u32 $0x4000, s31;
	s1 =	sadd.s32 s1, s30  }
0xbe: {  	s0 =	sor.u32 s3, s0;
	s1 =	sshll.u32 s1, $0x11  }
0xbf: {  	s0 =	sor.u32 s1, s0  }
0xc0: {  	s0 =	sadd.s32 $0x8F2B, s0  }
0xc1: {  	[sflag:s0] =	ssyncadd.remote.s32 $0x1  }
0xc2: {  	_ =	sfence.sel $0xFFFF  }
0xc3: {  	[dreg:$0x0] =	wrdreg $0xFFFFFFFF;
	(pc) =	sbr.abs _section_cstart, $3  }
0xc4: {  	[dreg:$0x1] =	wrdreg $0xFFFFFFFF  }
0xc5: {  	_ =	task.clear_ibuf [dreg:s9], $0x2FFFF;
	_ =	strace $0x9FFFFFFF  }
0xc6: {  	(tm) =	ssettm $0x7FFFFFFF  }
0xc7: {  	_ =	shalt  }
tec
execute0_lowered:
.L_overlay_start_1:
0x0: {  	(tag) =	ssettag $0x1  }
0x1: {  	s6 =	rddreg [dreg:$0x0]  }
0x2: {  	s7 =	rddreg [dreg:$0x1]  }
0x3: {  	s5 =	rddreg [dreg:$0x2]  }
0x4: {  	s8 =	rddreg [dreg:$0x3]  }
0x5: {  	s1 =	simm.s32 $0x0;
	s9 =	srdreg.scid;
	s0 =	stileid.u32  }
0x6: {  	s13 =	simm.s32 $0x1;
	s14 =	simm.s32 $0x400;
	s16 =	simm.s32 $0x0  }
0x7: {  	[smem:$0x7FF] =	sst s1;
	s3 =	sadd.s32 $0x187200, s5;
	s4 =	sadd.s32 $0x600, s5  }
0x8: {  	s9 =	sand.u32 $0x1, s9;
	s11 =	sshll.u32 s0, $0x7;
	s31 =	sadd.s32 $0x10C9800, s5  }
0x9: {  	_ =	strace $0x80000047;
	s10 =	ssub.s32 $0x2, s9;
	s9 =	sshll.u32 s9, $0x6  }
0xa: {  	[dreg:$0x5] =	wrdreg s31;
	s12 =	sshrl.u32 s10, $0x1;
	s9 =	sor.u32 s9, s11  }
0xb: {  	v0 =	vlaneseq.u32;
	s10 =	ssub.s32 s10, s12;
	s6 =	sadd.s32 s6, s9;
	s7 =	sadd.s32 s7, s9  }
0xc: {  	v0 =	vmul.u32 $0x80, v0;
	s8 =	sadd.s32 s8, s9;
	s9 =	smax.u32 s10, $0x1;
	s10 =	simm.s32 $0x2  }
.LBB2_1:
0xd: {  	[tilespmem:s1], [sflag:$0x2] =	stream.linear.gather [hbm4b:s6+s1], $0x200, $0x38;
	[tilespmem:$0x10680] =	vst v63  }
0xe: {  	_ =	swait.ge [sflag:s10], $0x200  }
0xf: {  	[sflag:s10] =	ssyncset.done $0x0  }
0x10: {  	s0 =	simm.s32 $0x200;
	[sflag:s10] =	ssyncadd.s32 $0xFFFFFE00  }
0x11: {  	[tilespmem:s0], [sflag:$0x2] =	stream.linear.gather [hbm4b:s7+s1], $0x200, $0x38;
	[tilespmem:$0x10680] =	vst v63  }
0x12: {  	_ =	swait.ge [sflag:s10], $0x200  }
0x13: {  	[sflag:s10] =	ssyncset.done $0x0  }
0x14: {  	s2 =	simm.s32 $0x10400;
	s31 =	rddreg [dreg:$0x5];
	[sflag:s10] =	ssyncadd.s32 $0xFFFFFE00  }
0x15: {  	[tilespmem:s2], [sflag:$0x2] =	stream.linear.gather [hbm4b:s31+s1], $0x80, $0x38;
	[tilespmem:$0x10680] =	vst v63  }
0x16: {  	_ =	swait.ge [sflag:s10], $0x80  }
0x17: {  	[sflag:s10] =	ssyncset.done $0x0  }
0x18: {  	[sflag:s10] =	ssyncadd.s32 $0xFFFFFF80  }
0x19: {  	v1 =	vld [tilespmem:s1+$0x0];
	_ =	sdelay $0x4  }
0x1a: {  	v4 =	vshll.u32 v1, $0x4  }
0x1b: {  	(v2sf) =	vpush v4, $0x0  }
0x1c: {  	(v2sf) =	vpush v4, $0x1  }
0x1d: {  	(v2sf) =	vpush v4, $0x2;
	_ =	sdelay $0x1  }
0x1e: {  	v19 =	vld [tilespmem:$0x10400];
	(v2sf) =	vpush v4, $0x4  }
0x1f: {  	v35 =	vld [tilespmem:$0x10410]  }
0x20: {  	v2 =	vld [tilespmem:$0x10420];
	(v2sf) =	vpush v4, $0x3  }
0x21: {  	v3 =	vld [tilespmem:$0x10440];
	(v2sf) =	vpush v4, $0x5  }
0x22: {  	s18 =	simm.s32 $0x2000;
	s17 =	simm.s32 $0x0;
	s19 =	simm.s32 $0x0;
	v1 =	vld [tilespmem:$0x10430];
	(v2sf) =	vpush v4, $0x6  }
.LBB2_2:
0x23: {  	p0 =	sne.s32 s18, $0x3E000  }
0x24: {  	s30 =	sadd.s32 $0x480, s17;
	s23 =	sadd.s32 $0x980, s17;
	s20 =	smov.u32 s18  }
0x25: {  	s18 =	sadd.s32 $0x2000, s18;
	s26 =	sadd.s32 $0x780, s17;
	s21 =	sadd.s32 $0xA00, s17;
	(v2sf) =	vpush v4, $0x7  }
0x26: {  	s29 =	sadd.s32 $0x680, s17;
	s25 =	sadd.s32 $0x800, s17;
	s22 =	sadd.s32 $0xA80, s17  }
0x27: {  	s31 =	sadd.s32 $0x400, s17;
	s0 =	sadd.s32 $0x600, s17;
	(v2sf) =	vpush v4, $0x8  }
0x28: {  	s2 =	sadd.s32 $0x700, s17;
	s19 =	sadd.s32 $0x10, s19  }
0x29: {  	s11 =	sadd.s32 $0x500, s17;
	s24 =	sadd.s32 $0x900, s17;
	s28 =	spop (v2sf);
	(v2sf) =	vpush v4, $0x9  }
0x2a: {  	s12 =	sand.u32 $0x1FFFFFF0, s28;
	s28 =	sadd.s32 $0x880, s17;
	s15 =	spop (v2sf)  }
0x2b: {  	s12 =	sadd.s32 s3, s12;
	s15 =	sand.u32 $0x1FFFFFF0, s15;
	s5 =	spop (v2sf);
	(v2sf) =	vpush v4, $0xA  }
0x2c: {  	[tilespmem:s31], [sflag:$0x1] =	stream.linear.gather [hbm4b:s12+s1], $0x80, $0x38;
	[tilespmem:$0x10680] =	vst v63  }
0x2d: {  	s12 =	sadd.s32 s3, s15;
	s15 =	sadd.s32 $0x580, s17;
	s31 =	spop (v2sf);
	(v2sf) =	vpush v4, $0xB  }
0x2e: {  	[tilespmem:s30], [sflag:$0x1] =	stream.linear.gather [hbm4b:s12+s1], $0x80, $0x38;
	[tilespmem:$0x10680] =	vst v63  }
0x2f: {  	s5 =	sand.u32 $0x1FFFFFF0, s5;
	s12 =	sand.u32 $0x1FFFFFF0, s31;
	s30 =	spop (v2sf);
	(v2sf) =	vpush v4, $0xC  }
0x30: {  	s5 =	sadd.s32 s3, s5;
	s30 =	sand.u32 $0x1FFFFFF0, s30;
	s31 =	spop (v2sf)  }
0x31: {  	[tilespmem:s11], [sflag:$0x1] =	stream.linear.gather [hbm4b:s5+s1], $0x80, $0x38;
	(v2sf) =	vpush v4, $0xD;
	[tilespmem:$0x10680] =	vst v63  }
0x32: {  	s5 =	sadd.s32 s3, s30;
	s11 =	sand.u32 $0x1FFFFFF0, s31;
	s30 =	spop (v2sf)  }
0x33: {  	[tilespmem:s15], [sflag:$0x1] =	stream.linear.gather [hbm4b:s5+s1], $0x80, $0x38;
	(v2sf) =	vpush v4, $0xE;
	[tilespmem:$0x10680] =	vst v63  }
0x34: {  	s5 =	sadd.s32 s3, s12;
	s12 =	sand.u32 $0x1FFFFFF0, s30;
	s15 =	spop (v2sf)  }
0x35: {  	[tilespmem:s0], [sflag:$0x1] =	stream.linear.gather [hbm4b:s5+s1], $0x80, $0x38;
	(v2sf) =	vpush v4, $0xF;
	[tilespmem:$0x10680] =	vst v63  }
0x36: {  	s0 =	sadd.s32 s3, s11;
	s5 =	sand.u32 $0x1FFFFFF0, s15;
	s11 =	spop (v2sf)  }
0x37: {  	[tilespmem:s29], [sflag:$0x1] =	stream.linear.gather [hbm4b:s0+s1], $0x80, $0x38;
	[tilespmem:$0x10680] =	vst v63  }
0x38: {  	s0 =	sadd.s32 s3, s12;
	s11 =	sand.u32 $0x1FFFFFF0, s11;
	s12 =	spop (v2sf)  }
0x39: {  	[tilespmem:s2], [sflag:$0x1] =	stream.linear.gather [hbm4b:s0+s1], $0x80, $0x38;
	[tilespmem:$0x10680] =	vst v63  }
0x3a: {  	s0 =	sadd.s32 s3, s5;
	s2 =	sand.u32 $0x1FFFFFF0, s12;
	s5 =	spop (v2sf)  }
0x3b: {  	[tilespmem:s26], [sflag:$0x1] =	stream.linear.gather [hbm4b:s0+s1], $0x80, $0x38;
	[tilespmem:$0x10680] =	vst v63  }
0x3c: {  	s0 =	sadd.s32 s3, s11;
	s5 =	sand.u32 $0x1FFFFFF0, s5;
	s11 =	spop (v2sf)  }
0x3d: {  	[tilespmem:s25], [sflag:$0x1] =	stream.linear.gather [hbm4b:s0+s1], $0x80, $0x38;
	[tilespmem:$0x10680] =	vst v63  }
0x3e: {  	s0 =	sadd.s32 s3, s2;
	s2 =	sand.u32 $0x1FFFFFF0, s11;
	s11 =	spop (v2sf)  }
0x3f: {  	[tilespmem:s28], [sflag:$0x1] =	stream.linear.gather [hbm4b:s0+s1], $0x80, $0x38;
	[tilespmem:$0x10680] =	vst v63  }
0x40: {  	s0 =	sadd.s32 s3, s5;
	s5 =	sand.u32 $0x1FFFFFF0, s11;
	s11 =	spop (v2sf)  }
0x41: {  	[tilespmem:s24], [sflag:$0x1] =	stream.linear.gather [hbm4b:s0+s1], $0x80, $0x38;
	[tilespmem:$0x10680] =	vst v63  }
0x42: {  	s0 =	sadd.s32 s3, s2;
	s2 =	sand.u32 $0x1FFFFFF0, s11;
	s11 =	spop (v2sf)  }
0x43: {  	[tilespmem:s23], [sflag:$0x1] =	stream.linear.gather [hbm4b:s0+s1], $0x80, $0x38;
	[tilespmem:$0x10680] =	vst v63  }
0x44: {  	s0 =	sadd.s32 s3, s5;
	s5 =	sand.u32 $0x1FFFFFF0, s11;
	s11 =	spop (v2sf)  }
0x45: {  	[tilespmem:s21], [sflag:$0x1] =	stream.linear.gather [hbm4b:s0+s1], $0x80, $0x38;
	[tilespmem:$0x10680] =	vst v63  }
0x46: {  	s0 =	sadd.s32 s3, s2;
	s2 =	sand.u32 $0x1FFFFFF0, s11  }
0x47: {  	[tilespmem:s22], [sflag:$0x1] =	stream.linear.gather [hbm4b:s0+s1], $0x80, $0x38;
	[tilespmem:$0x10680] =	vst v63  }
0x48: {  	s5 =	sadd.s32 s3, s5;
	s0 =	sadd.s32 $0xB00, s17  }
0x49: {  	[tilespmem:s0], [sflag:$0x1] =	stream.linear.gather [hbm4b:s5+s1], $0x80, $0x38;
	[tilespmem:$0x10680] =	vst v63  }
0x4a: {  	s2 =	sadd.s32 s3, s2;
	s0 =	sadd.s32 $0xB80, s17  }
0x4b: {  	[tilespmem:s0], [sflag:$0x1] =	stream.linear.gather [hbm4b:s2+s1], $0x80, $0x38;
	[tilespmem:$0x10680] =	vst v63  }
0x4c: {  	v4 =	vld [tilespmem:s19+$0x0];
	_ =	sdelay $0x4  }
0x4d: {  	v4 =	vshll.u32 v4, $0x4  }
0x4e: {  	(v2sf) =	vpush v4, $0x0  }
0x4f: {  	(v2sf) =	vpush v4, $0x1  }
0x50: {  	(v2sf) =	vpush v4, $0x2;
	_ =	sdelay $0x1  }
0x51: {  	(v2sf) =	vpush v4, $0x4  }
.Ltmp0:
0x52: {  	(pc) =	sbr.rel @p0 .LBB2_2-.Ltmp0, $3  }
0x53: {  	(v2sf) =	vpush v4, $0x3  }
0x54: {  	(v2sf) =	vpush v4, $0x5;
	_ =	sdelay $0x1  }
0x55: {  	s17 =	sshra.s32 s20, $0x2;
	(v2sf) =	vpush v4, $0x6  }
0x56: {  	_ =	sdelay $0x1  }
0x57: {  	(v2sf) =	vpush v4, $0x7  }
0x58: {  	s0 =	sadd.s32 $0x480, s17;
	s18 =	sadd.s32 $0x980, s17;
	s2 =	sadd.s32 $0x780, s17  }
0x59: {  	s5 =	sadd.s32 $0x680, s17;
	s11 =	sadd.s32 $0x800, s17;
	s12 =	sadd.s32 $0x400, s17;
	(v2sf) =	vpush v4, $0x8  }
0x5a: {  	s15 =	sadd.s32 $0x600, s17;
	s19 =	sadd.s32 $0x700, s17;
	s20 =	spop (v2sf)  }
0x5b: {  	s21 =	sadd.s32 $0x500, s17;
	s20 =	sand.u32 $0x1FFFFFF0, s20;
	s22 =	spop (v2sf)  }
0x5c: {  	s20 =	sadd.s32 s3, s20;
	s22 =	sand.u32 $0x1FFFFFF0, s22;
	s23 =	spop (v2sf)  }
0x5d: {  	(v2sf) =	vpush v4, $0x9;
	[tilespmem:s12], [sflag:$0x1] =	stream.linear.gather [hbm4b:s20+s1], $0x80, $0x38;
	[tilespmem:$0x10680] =	vst v63  }
0x5e: {  	s24 =	sadd.s32 $0x580, s17;
	s30 =	sadd.s32 s3, s22;
	s31 =	spop (v2sf)  }
0x5f: {  	(v2sf) =	vpush v4, $0xA;
	[tilespmem:s0], [sflag:$0x1] =	stream.linear.gather [hbm4b:s30+s1], $0x80, $0x38;
	[tilespmem:$0x10680] =	vst v63  }
0x60: {  	s12 =	sadd.s32 $0x900, s17;
	s25 =	sand.u32 $0x1FFFFFF0, s23;
	s26 =	spop (v2sf)  }
0x61: {  	(v2sf) =	vpush v4, $0xB;
	s20 =	sadd.s32 s3, s25;
	s0 =	sadd.s32 $0x880, s17;
	s23 =	sand.u32 $0x1FFFFFF0, s26  }
0x62: {  	[tilespmem:s21], [sflag:$0x1] =	stream.linear.gather [hbm4b:s20+s1], $0x80, $0x38;
	[tilespmem:$0x10680] =	vst v63  }
0x63: {  	s28 =	sand.u32 $0x1FFFFFF0, s31;
	(v2sf) =	vpush v4, $0xC;
	s29 =	spop (v2sf);
	s30 =	sadd.s32 s3, s23  }
0x64: {  	[tilespmem:s24], [sflag:$0x1] =	stream.linear.gather [hbm4b:s30+s1], $0x80, $0x38;
	[tilespmem:$0x10680] =	vst v63  }
0x65: {  	(v2sf) =	vpush v4, $0xD;
	s20 =	sadd.s32 s3, s28;
	s21 =	sand.u32 $0x1FFFFFF0, s29;
	s31 =	spop (v2sf)  }
0x66: {  	s21 =	sadd.s32 s3, s21;
	s22 =	sand.u32 $0x1FFFFFF0, s31;
	s23 =	spop (v2sf)  }
0x67: {  	(v2sf) =	vpush v4, $0xE;
	[tilespmem:s15], [sflag:$0x1] =	stream.linear.gather [hbm4b:s20+s1], $0x80, $0x38;
	[tilespmem:$0x10680] =	vst v63  }
0x68: {  	s24 =	sand.u32 $0x1FFFFFF0, s23;
	s25 =	spop (v2sf);
	s15 =	sadd.s32 s3, s22  }
0x69: {  	(v2sf) =	vpush v4, $0xF;
	[tilespmem:s5], [sflag:$0x1] =	stream.linear.gather [hbm4b:s21+s1], $0x80, $0x38;
	[tilespmem:$0x10680] =	vst v63  }
0x6a: {  	s22 =	sadd.s32 $0xA80, s17;
	s26 =	sand.u32 $0x1FFFFFF0, s25;
	s5 =	sadd.s32 s3, s24  }
0x6b: {  	[tilespmem:s19], [sflag:$0x1] =	stream.linear.gather [hbm4b:s15+s1], $0x80, $0x38;
	[tilespmem:$0x10680] =	vst v63  }
0x6c: {  	s21 =	sadd.s32 $0xA00, s17;
	s15 =	sadd.s32 s3, s26;
	s28 =	spop (v2sf)  }
0x6d: {  	[tilespmem:s2], [sflag:$0x1] =	stream.linear.gather [hbm4b:s5+s1], $0x80, $0x38;
	[tilespmem:$0x10680] =	vst v63  }
0x6e: {  	s26 =	simm.s32 $0x0;
	s29 =	sand.u32 $0x1FFFFFF0, s28;
	s30 =	spop (v2sf)  }
0x6f: {  	[tilespmem:s11], [sflag:$0x1] =	stream.linear.gather [hbm4b:s15+s1], $0x80, $0x38;
	[tilespmem:$0x10680] =	vst v63  }
0x70: {  	s5 =	sand.u32 $0x1FFFFFF0, s30;
	s2 =	sadd.s32 s3, s29;
	s31 =	spop (v2sf)  }
0x71: {  	[tilespmem:s0], [sflag:$0x1] =	stream.linear.gather [hbm4b:s2+s1], $0x80, $0x38;
	[tilespmem:$0x10680] =	vst v63  }
0x72: {  	s5 =	sadd.s32 s3, s5;
	s15 =	sand.u32 $0x1FFFFFF0, s31;
	s19 =	spop (v2sf)  }
0x73: {  	[tilespmem:s12], [sflag:$0x1] =	stream.linear.gather [hbm4b:s5+s1], $0x80, $0x38;
	[tilespmem:$0x10680] =	vst v63  }
0x74: {  	s0 =	sadd.s32 s3, s15;
	s2 =	sand.u32 $0x1FFFFFF0, s19;
	s20 =	spop (v2sf)  }
0x75: {  	[tilespmem:s18], [sflag:$0x1] =	stream.linear.gather [hbm4b:s0+s1], $0x80, $0x38;
	[tilespmem:$0x10680] =	vst v63  }
0x76: {  	s5 =	sand.u32 $0x1FFFFFF0, s20;
	s2 =	sadd.s32 s3, s2;
	s23 =	spop (v2sf)  }
0x77: {  	[tilespmem:s21], [sflag:$0x1] =	stream.linear.gather [hbm4b:s2+s1], $0x80, $0x38;
	[tilespmem:$0x10680] =	vst v63  }
0x78: {  	s5 =	sadd.s32 s3, s5;
	s24 =	sand.u32 $0x1FFFFFF0, s23;
	s25 =	spop (v2sf)  }
0x79: {  	[tilespmem:s22], [sflag:$0x1] =	stream.linear.gather [hbm4b:s5+s1], $0x80, $0x38;
	[tilespmem:$0x10680] =	vst v63  }
0x7a: {  	v4 =	vmov s26;
	s28 =	sadd.s32 $0xB00, s17;
	s0 =	sadd.s32 s3, s24;
	s2 =	sand.u32 $0x1FFFFFF0, s25  }
0x7b: {  	v4 =	vshll.u32 v4, $0x7;
	[tilespmem:s28], [sflag:$0x1] =	stream.linear.gather [hbm4b:s0+s1], $0x80, $0x38;
	[tilespmem:$0x10680] =	vst v63  }
0x7c: {  	s29 =	sadd.s32 $0xB80, s17;
	v32 =	vor.u32 v0, v4;
	s2 =	sadd.s32 s3, s2  }
0x7d: {  	[tilespmem:s29], [sflag:$0x1] =	stream.linear.gather [hbm4b:s2+s1], $0x80, $0x38;
	[tilespmem:$0x10680] =	vst v63  }
0x7e: {  	v4 =	vor.u32 $0x1, v32;
	_ =	swait.ge [sflag:s13], $0x10000  }
0x7f: {  	[sflag:s13] =	ssyncset.done $0x0  }
0x80: {  	v6 =	vor.u32 $0x2, v32;
	[sflag:s13] =	ssyncadd.s32 $0xFFFF0000  }
0x81: {  	v7 =	vld.idx.msk [tilespmem:v32+s14+$0x0], $0xffff  }
0x82: {  	v8 =	vor.u32 $0x3, v32  }
0x83: {  	v9 =	vld.idx.msk [tilespmem:v4+s14+$0x0], $0xffff  }
0x84: {  	v5 =	vbroadcast v19, $0x0;
	v10 =	vor.u32 $0x4, v32  }
0x85: {  	v3 =	vbroadcast v3, $0x0;
	v11 =	vld.idx.msk [tilespmem:v6+s14+$0x0], $0xffff  }
0x86: {  	v12 =	vor.u32 $0x5, v32;
	v6 =	vbroadcast v19, $0x1;
	v7 =	vmul.f32 v7, v5  }
0x87: {  	v14 =	vor.u32 $0x6, v32;
	v13 =	vld.idx.msk [tilespmem:v8+s14+$0x0], $0xffff  }
0x88: {  	v4 =	vbroadcast v19, $0x2;
	v9 =	vmul.f32 v9, v6;
	v8 =	vadd.f32 v7, v3  }
0x89: {  	v15 =	vor.u32 $0x7, v32;
	v10 =	vld.idx.msk [tilespmem:v10+s14+$0x0], $0xffff  }
0x8a: {  	v11 =	vmul.f32 v11, v4;
	v7 =	vbroadcast v19, $0x3;
	v9 =	vadd.f32 v9, v8  }
0x8b: {  	v16 =	vor.u32 $0x8, v32;
	v12 =	vld.idx.msk [tilespmem:v12+s14+$0x0], $0xffff  }
0x8c: {  	v8 =	vbroadcast v19, $0x4;
	v13 =	vmul.f32 v13, v7;
	v11 =	vadd.f32 v11, v9  }
0x8d: {  	v17 =	vor.u32 $0x9, v32;
	v14 =	vld.idx.msk [tilespmem:v14+s14+$0x0], $0xffff  }
0x8e: {  	v9 =	vbroadcast v19, $0x5;
	v11 =	vadd.f32 v13, v11;
	v13 =	vmul.f32 v10, v8  }
0x8f: {  	v18 =	vor.u32 $0xA, v32;
	v15 =	vld.idx.msk [tilespmem:v15+s14+$0x0], $0xffff  }
0x90: {  	v10 =	vbroadcast v19, $0x6;
	v12 =	vmul.f32 v12, v9;
	v13 =	vadd.f32 v13, v11  }
0x91: {  	v20 =	vor.u32 $0xB, v32;
	v16 =	vld.idx.msk [tilespmem:v16+s14+$0x0], $0xffff  }
0x92: {  	v11 =	vbroadcast v19, $0x7;
	v14 =	vmul.f32 v14, v10;
	v13 =	vadd.f32 v12, v13  }
0x93: {  	v21 =	vor.u32 $0xC, v32;
	v17 =	vld.idx.msk [tilespmem:v17+s14+$0x0], $0xffff  }
0x94: {  	v12 =	vbroadcast v19, $0x8;
	v15 =	vmul.f32 v15, v11;
	v14 =	vadd.f32 v14, v13  }
0x95: {  	v22 =	vor.u32 $0xD, v32;
	v18 =	vld.idx.msk [tilespmem:v18+s14+$0x0], $0xffff  }
0x96: {  	v13 =	vbroadcast v19, $0x9;
	v16 =	vmul.f32 v16, v12;
	v15 =	vadd.f32 v15, v14  }
0x97: {  	v23 =	vor.u32 $0xE, v32;
	v20 =	vld.idx.msk [tilespmem:v20+s14+$0x0], $0xffff  }
0x98: {  	v14 =	vbroadcast v19, $0xA;
	v17 =	vmul.f32 v17, v13;
	v16 =	vadd.f32 v16, v15  }
0x99: {  	v24 =	vor.u32 $0xF, v32;
	v21 =	vld.idx.msk [tilespmem:v21+s14+$0x0], $0xffff  }
0x9a: {  	v15 =	vbroadcast v19, $0xB;
	v18 =	vmul.f32 v18, v14;
	v17 =	vadd.f32 v17, v16  }
0x9b: {  	v25 =	vor.u32 $0x10, v32;
	v22 =	vld.idx.msk [tilespmem:v22+s14+$0x0], $0xffff  }
0x9c: {  	v16 =	vbroadcast v19, $0xC;
	v20 =	vmul.f32 v20, v15;
	v18 =	vadd.f32 v18, v17  }
0x9d: {  	v26 =	vor.u32 $0x11, v32;
	v23 =	vld.idx.msk [tilespmem:v23+s14+$0x0], $0xffff  }
0x9e: {  	v17 =	vbroadcast v19, $0xD;
	v21 =	vmul.f32 v21, v16;
	v20 =	vadd.f32 v20, v18  }
0x9f: {  	v27 =	vor.u32 $0x12, v32;
	v24 =	vld.idx.msk [tilespmem:v24+s14+$0x0], $0xffff  }
0xa0: {  	v18 =	vbroadcast v19, $0xE;
	v20 =	vadd.f32 v21, v20;
	v21 =	vmul.f32 v22, v17  }
0xa1: {  	v19 =	vbroadcast v19, $0xF;
	v22 =	vld.idx.msk [tilespmem:v25+s14+$0x0], $0xffff  }
0xa2: {  	v25 =	vor.u32 $0x13, v32;
	v23 =	vmul.f32 v23, v18;
	v21 =	vadd.f32 v21, v20  }
0xa3: {  	v28 =	vor.u32 $0x14, v32;
	v26 =	vld.idx.msk [tilespmem:v26+s14+$0x0], $0xffff  }
0xa4: {  	v24 =	vmul.f32 v24, v19;
	v20 =	vbroadcast v35, $0x0;
	v23 =	vadd.f32 v23, v21  }
0xa5: {  	v29 =	vor.u32 $0x15, v32;
	v27 =	vld.idx.msk [tilespmem:v27+s14+$0x0], $0xffff  }
0xa6: {  	v21 =	vbroadcast v35, $0x1;
	v23 =	vadd.f32 v24, v23;
	v24 =	vmul.f32 v22, v20  }
0xa7: {  	v30 =	vor.u32 $0x16, v32;
	v25 =	vld.idx.msk [tilespmem:v25+s14+$0x0], $0xffff  }
0xa8: {  	v22 =	vbroadcast v35, $0x2;
	v26 =	vmul.f32 v26, v21;
	v24 =	vadd.f32 v24, v23  }
0xa9: {  	v31 =	vor.u32 $0x17, v32;
	v28 =	vld.idx.msk [tilespmem:v28+s14+$0x0], $0xffff  }
0xaa: {  	v23 =	vbroadcast v35, $0x3;
	v27 =	vmul.f32 v27, v22;
	v26 =	vadd.f32 v26, v24  }
0xab: {  	v33 =	vor.u32 $0x18, v32;
	v29 =	vld.idx.msk [tilespmem:v29+s14+$0x0], $0xffff  }
0xac: {  	v24 =	vbroadcast v35, $0x4;
	v26 =	vadd.f32 v27, v26;
	v27 =	vmul.f32 v25, v23  }
0xad: {  	v34 =	vor.u32 $0x19, v32;
	v30 =	vld.idx.msk [tilespmem:v30+s14+$0x0], $0xffff  }
0xae: {  	v25 =	vbroadcast v35, $0x5;
	v28 =	vmul.f32 v28, v24;
	v27 =	vadd.f32 v27, v26  }
0xaf: {  	v36 =	vor.u32 $0x1A, v32;
	v31 =	vld.idx.msk [tilespmem:v31+s14+$0x0], $0xffff  }
0xb0: {  	v26 =	vbroadcast v35, $0x6;
	v29 =	vmul.f32 v29, v25;
	v28 =	vadd.f32 v28, v27  }
0xb1: {  	v37 =	vor.u32 $0x1B, v32;
	v33 =	vld.idx.msk [tilespmem:v33+s14+$0x0], $0xffff  }
0xb2: {  	v27 =	vbroadcast v35, $0x7;
	v30 =	vmul.f32 v30, v26;
	v29 =	vadd.f32 v29, v28  }
0xb3: {  	v38 =	vor.u32 $0x1C, v32;
	v34 =	vld.idx.msk [tilespmem:v34+s14+$0x0], $0xffff  }
0xb4: {  	v28 =	vbroadcast v35, $0x8;
	v31 =	vmul.f32 v31, v27;
	v30 =	vadd.f32 v30, v29  }
0xb5: {  	v39 =	vor.u32 $0x1D, v32;
	v36 =	vld.idx.msk [tilespmem:v36+s14+$0x0], $0xffff  }
0xb6: {  	v29 =	vbroadcast v35, $0x9;
	v33 =	vmul.f32 v33, v28;
	v31 =	vadd.f32 v31, v30  }
0xb7: {  	v40 =	vor.u32 $0x1E, v32;
	v37 =	vld.idx.msk [tilespmem:v37+s14+$0x0], $0xffff  }
0xb8: {  	v30 =	vbroadcast v35, $0xA;
	v34 =	vmul.f32 v34, v29;
	v33 =	vadd.f32 v33, v31  }
0xb9: {  	v41 =	vor.u32 $0x1F, v32;
	v38 =	vld.idx.msk [tilespmem:v38+s14+$0x0], $0xffff  }
0xba: {  	v31 =	vbroadcast v35, $0xB;
	v43 =	vmul.f32 v36, v30;
	v33 =	vadd.f32 v34, v33  }
0xbb: {  	v44 =	vld.idx.msk [tilespmem:v39+s14+$0x0], $0xffff  }
0xbc: {  	v32 =	vbroadcast v35, $0xC;
	v37 =	vmul.f32 v37, v31;
	v34 =	vadd.f32 v43, v33  }
0xbd: {  	v45 =	vld.idx.msk [tilespmem:v40+s14+$0x0], $0xffff  }
0xbe: {  	v38 =	vmul.f32 v38, v32;
	v33 =	vbroadcast v35, $0xD;
	v37 =	vadd.f32 v37, v34  }
0xbf: {  	v46 =	vld.idx.msk [tilespmem:v41+s14+$0x0], $0xffff  }
0xc0: {  	s30 =	simm.s32 $0x10;
	v34 =	vbroadcast v35, $0xE;
	v36 =	vmul.f32 v44, v33;
	v37 =	vadd.f32 v38, v37  }
0xc1: {  	v47 =	vmov s30  }
0xc2: {  	v35 =	vbroadcast v35, $0xF;
	v48 =	vmul.f32 v45, v34;
	v36 =	vadd.f32 v36, v37  }
0xc3: {  	v38 =	vshll.u32 v47, $0x7  }
0xc4: {  	v49 =	vmul.f32 v46, v35;
	v38 =	vor.u32 v0, v38;
	v36 =	vadd.f32 v48, v36;
	_ =	sdelay $0x1  }
0xc5: {  	v50 =	vor.u32 $0x1, v38;
	v36 =	vadd.f32 v49, v36  }
0xc6: {  	s17 =	simm.s32 $0x10480  }
0xc7: {  	v51 =	vor.u32 $0x2, v38;
	[tilespmem:s17+$0x0] =	vst v36  }
0xc8: {  	v36 =	vld.idx.msk [tilespmem:v38+s14+$0x0], $0xffff  }
0xc9: {  	v52 =	vor.u32 $0x3, v38  }
0xca: {  	v39 =	vld.idx.msk [tilespmem:v50+s14+$0x0], $0xffff  }
0xcb: {  	v53 =	vor.u32 $0x4, v38  }
0xcc: {  	v37 =	vld.idx.msk [tilespmem:v51+s14+$0x0], $0xffff  }
0xcd: {  	v42 =	vor.u32 $0x5, v38;
	v36 =	vmul.f32 v36, v5  }
0xce: {  	v40 =	vld.idx.msk [tilespmem:v52+s14+$0x0], $0xffff  }
0xcf: {  	v43 =	vor.u32 $0x6, v38;
	v39 =	vmul.f32 v39, v6;
	v36 =	vadd.f32 v36, v3  }
0xd0: {  	v41 =	vld.idx.msk [tilespmem:v53+s14+$0x0], $0xffff  }
0xd1: {  	v44 =	vor.u32 $0x7, v38;
	v37 =	vmul.f32 v37, v4;
	v36 =	vadd.f32 v39, v36  }
0xd2: {  	v54 =	vld.idx.msk [tilespmem:v42+s14+$0x0], $0xffff  }
0xd3: {  	v55 =	vor.u32 $0x8, v38;
	v56 =	vmul.f32 v40, v7;
	v36 =	vadd.f32 v37, v36  }
0xd4: {  	v57 =	vld.idx.msk [tilespmem:v43+s14+$0x0], $0xffff  }
0xd5: {  	v58 =	vor.u32 $0x9, v38;
	v59 =	vmul.f32 v41, v8;
	v36 =	vadd.f32 v56, v36  }
0xd6: {  	v60 =	vld.idx.msk [tilespmem:v44+s14+$0x0], $0xffff  }
0xd7: {  	v61 =	vor.u32 $0xA, v38;
	v62 =	vmul.f32 v54, v9;
	v36 =	vadd.f32 v59, v36  }
0xd8: {  	v63 =	vld.idx.msk [tilespmem:v55+s14+$0x0], $0xffff  }
0xd9: {  	v48 =	vor.u32 $0xB, v38;
	v49 =	vmul.f32 v57, v10;
	v36 =	vadd.f32 v62, v36  }
0xda: {  	v50 =	vld.idx.msk [tilespmem:v58+s14+$0x0], $0xffff  }
0xdb: {  	v51 =	vor.u32 $0xC, v38;
	v52 =	vmul.f32 v60, v11;
	v36 =	vadd.f32 v49, v36  }
0xdc: {  	v53 =	vld.idx.msk [tilespmem:v61+s14+$0x0], $0xffff  }
0xdd: {  	v54 =	vor.u32 $0xD, v38;
	v55 =	vmul.f32 v63, v12;
	v36 =	vadd.f32 v52, v36  }
0xde: {  	v56 =	vld.idx.msk [tilespmem:v48+s14+$0x0], $0xffff  }
0xdf: {  	v57 =	vor.u32 $0xE, v38;
	v58 =	vmul.f32 v50, v13;
	v36 =	vadd.f32 v55, v36  }
0xe0: {  	v59 =	vld.idx.msk [tilespmem:v51+s14+$0x0], $0xffff  }
0xe1: {  	v60 =	vor.u32 $0xF, v38;
	v61 =	vmul.f32 v53, v14;
	v36 =	vadd.f32 v58, v36  }
0xe2: {  	v62 =	vld.idx.msk [tilespmem:v54+s14+$0x0], $0xffff  }
0xe3: {  	v63 =	vor.u32 $0x10, v38;
	v47 =	vmul.f32 v56, v15;
	v36 =	vadd.f32 v61, v36  }
0xe4: {  	v48 =	vld.idx.msk [tilespmem:v57+s14+$0x0], $0xffff  }
0xe5: {  	v49 =	vor.u32 $0x11, v38;
	v50 =	vmul.f32 v59, v16;
	v36 =	vadd.f32 v47, v36  }
0xe6: {  	v51 =	vld.idx.msk [tilespmem:v60+s14+$0x0], $0xffff  }
0xe7: {  	v52 =	vor.u32 $0x12, v38;
	v53 =	vmul.f32 v62, v17;
	v36 =	vadd.f32 v50, v36  }
0xe8: {  	v54 =	vld.idx.msk [tilespmem:v63+s14+$0x0], $0xffff  }
0xe9: {  	v56 =	vmul.f32 v48, v18;
	v55 =	vor.u32 $0x13, v38;
	v36 =	vadd.f32 v53, v36  }
0xea: {  	v57 =	vld.idx.msk [tilespmem:v49+s14+$0x0], $0xffff  }
0xeb: {  	v59 =	vmul.f32 v51, v19;
	v58 =	vor.u32 $0x14, v38;
	v36 =	vadd.f32 v56, v36  }
0xec: {  	v60 =	vld.idx.msk [tilespmem:v52+s14+$0x0], $0xffff  }
0xed: {  	v62 =	vmul.f32 v54, v20;
	v61 =	vor.u32 $0x15, v38;
	v36 =	vadd.f32 v59, v36  }
0xee: {  	v63 =	vld.idx.msk [tilespmem:v55+s14+$0x0], $0xffff  }
0xef: {  	v48 =	vor.u32 $0x16, v38;
	v49 =	vmul.f32 v57, v21;
	v36 =	vadd.f32 v62, v36  }
0xf0: {  	v50 =	vld.idx.msk [tilespmem:v58+s14+$0x0], $0xffff  }
0xf1: {  	v51 =	vor.u32 $0x17, v38;
	v52 =	vmul.f32 v60, v22;
	v36 =	vadd.f32 v49, v36  }
0xf2: {  	v53 =	vld.idx.msk [tilespmem:v61+s14+$0x0], $0xffff  }
0xf3: {  	v54 =	vor.u32 $0x18, v38;
	v55 =	vmul.f32 v63, v23;
	v36 =	vadd.f32 v52, v36  }
0xf4: {  	v56 =	vld.idx.msk [tilespmem:v48+s14+$0x0], $0xffff  }
0xf5: {  	v57 =	vor.u32 $0x19, v38;
	v58 =	vmul.f32 v50, v24;
	v36 =	vadd.f32 v55, v36  }
0xf6: {  	v59 =	vld.idx.msk [tilespmem:v51+s14+$0x0], $0xffff  }
0xf7: {  	v60 =	vor.u32 $0x1A, v38;
	v61 =	vmul.f32 v53, v25;
	v36 =	vadd.f32 v58, v36  }
0xf8: {  	v62 =	vld.idx.msk [tilespmem:v54+s14+$0x0], $0xffff  }
0xf9: {  	v63 =	vor.u32 $0x1B, v38;
	v48 =	vmul.f32 v56, v26;
	v36 =	vadd.f32 v61, v36  }
0xfa: {  	v49 =	vld.idx.msk [tilespmem:v57+s14+$0x0], $0xffff  }
0xfb: {  	v50 =	vor.u32 $0x1C, v38;
	v51 =	vmul.f32 v59, v27;
	v36 =	vadd.f32 v48, v36  }
0xfc: {  	v52 =	vld.idx.msk [tilespmem:v60+s14+$0x0], $0xffff  }
0xfd: {  	v53 =	vor.u32 $0x1D, v38;
	v54 =	vmul.f32 v62, v28;
	v36 =	vadd.f32 v51, v36  }
0xfe: {  	v55 =	vld.idx.msk [tilespmem:v63+s14+$0x0], $0xffff  }
0xff: {  	v56 =	vor.u32 $0x1E, v38;
	v57 =	vmul.f32 v49, v29;
	v36 =	vadd.f32 v54, v36  }
0x100: {  	v58 =	vld.idx.msk [tilespmem:v50+s14+$0x0], $0xffff  }
0x101: {  	v38 =	vor.u32 $0x1F, v38;
	v59 =	vmul.f32 v52, v30;
	v36 =	vadd.f32 v57, v36  }
0x102: {  	v60 =	vld.idx.msk [tilespmem:v53+s14+$0x0], $0xffff  }
0x103: {  	v61 =	vmul.f32 v55, v31;
	v36 =	vadd.f32 v59, v36  }
0x104: {  	v62 =	vld.idx.msk [tilespmem:v56+s14+$0x0], $0xffff  }
0x105: {  	v63 =	vmul.f32 v58, v32;
	v36 =	vadd.f32 v61, v36  }
0x106: {  	v37 =	vld.idx.msk [tilespmem:v38+s14+$0x0], $0xffff  }
0x107: {  	v39 =	vmul.f32 v60, v33;
	v41 =	vadd.f32 v63, v36  }
0x108: {  	s31 =	simm.s32 $0x20  }
0x109: {  	s18 =	simm.s32 $0x30;
	v36 =	vmov s31;
	v38 =	vadd.f32 v39, v41;
	v39 =	vmul.f32 v62, v34  }
.LBB2_4:
0x10a: {  	p0 =	sne.s32 s18, $0x1F0;
	v36 =	vshll.u32 v36, $0x7  }
0x10b: {  	v37 =	vmul.f32 v37, v35;
	v36 =	vor.u32 v0, v36;
	v38 =	vadd.f32 v39, v38;
	_ =	sdelay $0x1  }
0x10c: {  	v39 =	vor.u32 $0x1, v36;
	v37 =	vadd.f32 v37, v38  }
0x10d: {  	s17 =	sadd.s32 $0x10, s17  }
0x10e: {  	v38 =	vor.u32 $0x2, v36;
	[tilespmem:s17+$0x0] =	vst v37  }
0x10f: {  	v37 =	vld.idx.msk [tilespmem:v36+s14+$0x0], $0xffff  }
0x110: {  	v40 =	vor.u32 $0x3, v36  }
0x111: {  	v39 =	vld.idx.msk [tilespmem:v39+s14+$0x0], $0xffff  }
0x112: {  	v41 =	vor.u32 $0x4, v36  }
0x113: {  	v38 =	vld.idx.msk [tilespmem:v38+s14+$0x0], $0xffff  }
0x114: {  	v42 =	vor.u32 $0x5, v36  }
0x115: {  	v37 =	vmul.f32 v37, v5;
	v40 =	vld.idx.msk [tilespmem:v40+s14+$0x0], $0xffff  }
0x116: {  	v43 =	vor.u32 $0x6, v36  }
0x117: {  	v37 =	vadd.f32 v37, v3;
	v39 =	vmul.f32 v39, v6;
	v41 =	vld.idx.msk [tilespmem:v41+s14+$0x0], $0xffff  }
0x118: {  	v44 =	vor.u32 $0x7, v36  }
0x119: {  	v37 =	vadd.f32 v39, v37;
	v38 =	vmul.f32 v38, v4;
	v39 =	vld.idx.msk [tilespmem:v42+s14+$0x0], $0xffff  }
0x11a: {  	v42 =	vor.u32 $0x8, v36  }
0x11b: {  	v37 =	vadd.f32 v38, v37;
	v38 =	vmul.f32 v40, v7;
	v40 =	vld.idx.msk [tilespmem:v43+s14+$0x0], $0xffff  }
0x11c: {  	v43 =	vor.u32 $0x9, v36  }
0x11d: {  	v37 =	vadd.f32 v38, v37;
	v38 =	vmul.f32 v41, v8;
	v41 =	vld.idx.msk [tilespmem:v44+s14+$0x0], $0xffff  }
0x11e: {  	v44 =	vor.u32 $0xA, v36  }
0x11f: {  	v37 =	vadd.f32 v38, v37;
	v38 =	vmul.f32 v39, v9;
	v39 =	vld.idx.msk [tilespmem:v42+s14+$0x0], $0xffff  }
0x120: {  	v42 =	vor.u32 $0xB, v36  }
0x121: {  	v37 =	vadd.f32 v38, v37;
	v38 =	vmul.f32 v40, v10;
	v40 =	vld.idx.msk [tilespmem:v43+s14+$0x0], $0xffff  }
0x122: {  	v43 =	vor.u32 $0xC, v36  }
0x123: {  	v37 =	vadd.f32 v38, v37;
	v38 =	vmul.f32 v41, v11;
	v41 =	vld.idx.msk [tilespmem:v44+s14+$0x0], $0xffff  }
0x124: {  	v44 =	vor.u32 $0xD, v36  }
0x125: {  	v37 =	vadd.f32 v38, v37;
	v38 =	vmul.f32 v39, v12;
	v39 =	vld.idx.msk [tilespmem:v42+s14+$0x0], $0xffff  }
0x126: {  	v42 =	vor.u32 $0xE, v36  }
0x127: {  	v37 =	vadd.f32 v38, v37;
	v38 =	vmul.f32 v40, v13;
	v40 =	vld.idx.msk [tilespmem:v43+s14+$0x0], $0xffff  }
0x128: {  	v43 =	vor.u32 $0xF, v36  }
0x129: {  	v37 =	vadd.f32 v38, v37;
	v38 =	vmul.f32 v41, v14;
	v41 =	vld.idx.msk [tilespmem:v44+s14+$0x0], $0xffff  }
0x12a: {  	v44 =	vor.u32 $0x10, v36  }
0x12b: {  	v37 =	vadd.f32 v38, v37;
	v38 =	vmul.f32 v39, v15;
	v39 =	vld.idx.msk [tilespmem:v42+s14+$0x0], $0xffff  }
0x12c: {  	v42 =	vor.u32 $0x11, v36  }
0x12d: {  	v37 =	vadd.f32 v38, v37;
	v38 =	vmul.f32 v40, v16;
	v40 =	vld.idx.msk [tilespmem:v43+s14+$0x0], $0xffff  }
0x12e: {  	v43 =	vor.u32 $0x12, v36  }
0x12f: {  	v37 =	vadd.f32 v38, v37;
	v38 =	vmul.f32 v41, v17;
	v41 =	vld.idx.msk [tilespmem:v44+s14+$0x0], $0xffff  }
0x130: {  	v44 =	vor.u32 $0x13, v36  }
0x131: {  	v37 =	vadd.f32 v38, v37;
	v38 =	vmul.f32 v39, v18;
	v39 =	vld.idx.msk [tilespmem:v42+s14+$0x0], $0xffff  }
0x132: {  	v42 =	vor.u32 $0x14, v36  }
0x133: {  	v37 =	vadd.f32 v38, v37;
	v38 =	vmul.f32 v40, v19;
	v40 =	vld.idx.msk [tilespmem:v43+s14+$0x0], $0xffff  }
0x134: {  	v43 =	vor.u32 $0x15, v36  }
0x135: {  	v37 =	vadd.f32 v38, v37;
	v38 =	vmul.f32 v41, v20;
	v41 =	vld.idx.msk [tilespmem:v44+s14+$0x0], $0xffff  }
0x136: {  	v44 =	vor.u32 $0x16, v36  }
0x137: {  	v37 =	vadd.f32 v38, v37;
	v38 =	vmul.f32 v39, v21;
	v39 =	vld.idx.msk [tilespmem:v42+s14+$0x0], $0xffff  }
0x138: {  	v42 =	vor.u32 $0x17, v36  }
0x139: {  	v37 =	vadd.f32 v38, v37;
	v38 =	vmul.f32 v40, v22;
	v40 =	vld.idx.msk [tilespmem:v43+s14+$0x0], $0xffff  }
0x13a: {  	v43 =	vor.u32 $0x18, v36  }
0x13b: {  	v37 =	vadd.f32 v38, v37;
	v38 =	vmul.f32 v41, v23;
	v41 =	vld.idx.msk [tilespmem:v44+s14+$0x0], $0xffff  }
0x13c: {  	v44 =	vor.u32 $0x19, v36  }
0x13d: {  	v37 =	vadd.f32 v38, v37;
	v38 =	vmul.f32 v39, v24;
	v39 =	vld.idx.msk [tilespmem:v42+s14+$0x0], $0xffff  }
0x13e: {  	v42 =	vor.u32 $0x1A, v36  }
0x13f: {  	v37 =	vadd.f32 v38, v37;
	v38 =	vmul.f32 v40, v25;
	v40 =	vld.idx.msk [tilespmem:v43+s14+$0x0], $0xffff  }
0x140: {  	v43 =	vor.u32 $0x1B, v36  }
0x141: {  	v37 =	vadd.f32 v38, v37;
	v38 =	vmul.f32 v41, v26;
	v41 =	vld.idx.msk [tilespmem:v44+s14+$0x0], $0xffff  }
0x142: {  	v44 =	vor.u32 $0x1C, v36  }
0x143: {  	v37 =	vadd.f32 v38, v37;
	v38 =	vmul.f32 v39, v27;
	v39 =	vld.idx.msk [tilespmem:v42+s14+$0x0], $0xffff  }
0x144: {  	v42 =	vor.u32 $0x1D, v36  }
0x145: {  	v37 =	vadd.f32 v38, v37;
	v38 =	vmul.f32 v40, v28;
	v40 =	vld.idx.msk [tilespmem:v43+s14+$0x0], $0xffff  }
0x146: {  	v43 =	vor.u32 $0x1E, v36  }
0x147: {  	v37 =	vadd.f32 v38, v37;
	v38 =	vmul.f32 v41, v29;
	v41 =	vld.idx.msk [tilespmem:v44+s14+$0x0], $0xffff  }
0x148: {  	v36 =	vor.u32 $0x1F, v36  }
0x149: {  	v37 =	vadd.f32 v38, v37;
	v38 =	vmul.f32 v39, v30;
	v39 =	vld.idx.msk [tilespmem:v42+s14+$0x0], $0xffff;
	_ =	sdelay $0x1  }
0x14a: {  	v37 =	vadd.f32 v38, v37;
	v38 =	vmul.f32 v40, v31;
	v40 =	vld.idx.msk [tilespmem:v43+s14+$0x0], $0xffff;
	_ =	sdelay $0x1  }
.Ltmp1:
0x14b: {  	v38 =	vadd.f32 v38, v37;
	v41 =	vmul.f32 v41, v32;
	v37 =	vld.idx.msk [tilespmem:v36+s14+$0x0], $0xffff;
	(pc) =	sbr.rel @p0 .LBB2_4-.Ltmp1, $3  }
0x14c: {  	_ = 	snop  }
0x14d: {  	v38 =	vadd.f32 v41, v38;
	v39 =	vmul.f32 v39, v33;
	_ =	sdelay $0x1  }
0x14e: {  	v36 =	vmov s18;
	s18 =	sadd.s32 $0x10, s18;
	v38 =	vadd.f32 v39, v38;
	v39 =	vmul.f32 v40, v34  }
0x14f: {  	v36 =	vshll.u32 v36, $0x7  }
0x150: {  	v37 =	vmul.f32 v37, v35;
	v36 =	vor.u32 v0, v36;
	v38 =	vadd.f32 v39, v38;
	_ =	sdelay $0x1  }
0x151: {  	v46 =	vor.u32 $0x1, v36;
	v37 =	vadd.f32 v37, v38  }
0x152: {  	s17 =	sadd.s32 $0x10, s17  }
0x153: {  	v47 =	vor.u32 $0x2, v36;
	[tilespmem:s17+$0x0] =	vst v37  }
0x154: {  	v37 =	vld.idx.msk [tilespmem:v36+s14+$0x0], $0xffff  }
0x155: {  	v40 =	vor.u32 $0x3, v36  }
0x156: {  	v39 =	vld.idx.msk [tilespmem:v46+s14+$0x0], $0xffff  }
0x157: {  	v41 =	vor.u32 $0x4, v36  }
0x158: {  	v38 =	vld.idx.msk [tilespmem:v47+s14+$0x0], $0xffff  }
0x159: {  	v42 =	vor.u32 $0x5, v36;
	v5 =	vmul.f32 v37, v5  }
0x15a: {  	v48 =	vld.idx.msk [tilespmem:v40+s14+$0x0], $0xffff  }
0x15b: {  	v49 =	vor.u32 $0x6, v36;
	v3 =	vadd.f32 v5, v3;
	v5 =	vmul.f32 v39, v6  }
0x15c: {  	v50 =	vld.idx.msk [tilespmem:v41+s14+$0x0], $0xffff  }
0x15d: {  	v51 =	vor.u32 $0x7, v36;
	v4 =	vmul.f32 v38, v4;
	v3 =	vadd.f32 v5, v3  }
0x15e: {  	v5 =	vld.idx.msk [tilespmem:v42+s14+$0x0], $0xffff  }
0x15f: {  	v52 =	vor.u32 $0x8, v36;
	v3 =	vadd.f32 v4, v3;
	v4 =	vmul.f32 v48, v7  }
0x160: {  	v53 =	vld.idx.msk [tilespmem:v49+s14+$0x0], $0xffff  }
0x161: {  	v54 =	vor.u32 $0x9, v36;
	v3 =	vadd.f32 v4, v3;
	v4 =	vmul.f32 v50, v8  }
0x162: {  	v55 =	vld.idx.msk [tilespmem:v51+s14+$0x0], $0xffff  }
0x163: {  	v56 =	vor.u32 $0xA, v36;
	v3 =	vadd.f32 v4, v3;
	v4 =	vmul.f32 v5, v9  }
0x164: {  	v5 =	vld.idx.msk [tilespmem:v52+s14+$0x0], $0xffff  }
0x165: {  	v57 =	vor.u32 $0xB, v36;
	v3 =	vadd.f32 v4, v3;
	v4 =	vmul.f32 v53, v10  }
0x166: {  	v58 =	vld.idx.msk [tilespmem:v54+s14+$0x0], $0xffff  }
0x167: {  	v59 =	vor.u32 $0xC, v36;
	v3 =	vadd.f32 v4, v3;
	v4 =	vmul.f32 v55, v11  }
0x168: {  	v60 =	vld.idx.msk [tilespmem:v56+s14+$0x0], $0xffff  }
0x169: {  	v61 =	vor.u32 $0xD, v36;
	v3 =	vadd.f32 v4, v3;
	v4 =	vmul.f32 v5, v12  }
0x16a: {  	v5 =	vld.idx.msk [tilespmem:v57+s14+$0x0], $0xffff  }
0x16b: {  	v62 =	vor.u32 $0xE, v36;
	v3 =	vadd.f32 v4, v3;
	v4 =	vmul.f32 v58, v13  }
0x16c: {  	v63 =	vld.idx.msk [tilespmem:v59+s14+$0x0], $0xffff  }
0x16d: {  	v12 =	vor.u32 $0xF, v36;
	v3 =	vadd.f32 v4, v3;
	v4 =	vmul.f32 v60, v14  }
0x16e: {  	v13 =	vld.idx.msk [tilespmem:v61+s14+$0x0], $0xffff  }
0x16f: {  	v14 =	vor.u32 $0x10, v36;
	v3 =	vadd.f32 v4, v3;
	v4 =	vmul.f32 v5, v15  }
0x170: {  	v5 =	vld.idx.msk [tilespmem:v62+s14+$0x0], $0xffff  }
0x171: {  	v37 =	vor.u32 $0x11, v36;
	v3 =	vadd.f32 v4, v3;
	v4 =	vmul.f32 v63, v16  }
0x172: {  	v38 =	vld.idx.msk [tilespmem:v12+s14+$0x0], $0xffff  }
0x173: {  	v39 =	vor.u32 $0x12, v36;
	v3 =	vadd.f32 v4, v3;
	v4 =	vmul.f32 v13, v17  }
0x174: {  	v40 =	vld.idx.msk [tilespmem:v14+s14+$0x0], $0xffff  }
0x175: {  	v41 =	vor.u32 $0x13, v36;
	v3 =	vadd.f32 v4, v3;
	v4 =	vmul.f32 v5, v18  }
0x176: {  	v5 =	vld.idx.msk [tilespmem:v37+s14+$0x0], $0xffff  }
0x177: {  	v42 =	vor.u32 $0x14, v36;
	v3 =	vadd.f32 v4, v3;
	v4 =	vmul.f32 v38, v19  }
0x178: {  	v43 =	vld.idx.msk [tilespmem:v39+s14+$0x0], $0xffff  }
0x179: {  	v44 =	vor.u32 $0x15, v36;
	v3 =	vadd.f32 v4, v3;
	v4 =	vmul.f32 v40, v20  }
0x17a: {  	v45 =	vld.idx.msk [tilespmem:v41+s14+$0x0], $0xffff  }
0x17b: {  	v46 =	vor.u32 $0x16, v36;
	v3 =	vadd.f32 v4, v3;
	v4 =	vmul.f32 v5, v21  }
0x17c: {  	v5 =	vld.idx.msk [tilespmem:v42+s14+$0x0], $0xffff  }
0x17d: {  	v47 =	vor.u32 $0x17, v36;
	v3 =	vadd.f32 v4, v3;
	v4 =	vmul.f32 v43, v22  }
0x17e: {  	v48 =	vld.idx.msk [tilespmem:v44+s14+$0x0], $0xffff  }
0x17f: {  	v49 =	vor.u32 $0x18, v36;
	v3 =	vadd.f32 v4, v3;
	v4 =	vmul.f32 v45, v23  }
0x180: {  	v50 =	vld.idx.msk [tilespmem:v46+s14+$0x0], $0xffff  }
0x181: {  	v51 =	vor.u32 $0x19, v36;
	v3 =	vadd.f32 v4, v3;
	v4 =	vmul.f32 v5, v24  }
0x182: {  	v5 =	vld.idx.msk [tilespmem:v47+s14+$0x0], $0xffff  }
0x183: {  	v52 =	vor.u32 $0x1A, v36;
	v3 =	vadd.f32 v4, v3;
	v4 =	vmul.f32 v48, v25  }
0x184: {  	v53 =	vld.idx.msk [tilespmem:v49+s14+$0x0], $0xffff  }
0x185: {  	v54 =	vor.u32 $0x1B, v36;
	v3 =	vadd.f32 v4, v3;
	v4 =	vmul.f32 v50, v26  }
0x186: {  	v55 =	vld.idx.msk [tilespmem:v51+s14+$0x0], $0xffff  }
0x187: {  	v56 =	vor.u32 $0x1C, v36;
	v3 =	vadd.f32 v4, v3;
	v4 =	vmul.f32 v5, v27  }
0x188: {  	v5 =	vld.idx.msk [tilespmem:v52+s14+$0x0], $0xffff  }
0x189: {  	v57 =	vor.u32 $0x1D, v36;
	v3 =	vadd.f32 v4, v3;
	v4 =	vmul.f32 v53, v28  }
0x18a: {  	v58 =	vld.idx.msk [tilespmem:v54+s14+$0x0], $0xffff  }
0x18b: {  	v59 =	vor.u32 $0x1E, v36;
	v3 =	vadd.f32 v4, v3;
	v4 =	vmul.f32 v55, v29  }
0x18c: {  	v60 =	vld.idx.msk [tilespmem:v56+s14+$0x0], $0xffff  }
0x18d: {  	v61 =	vor.u32 $0x1F, v36;
	v3 =	vadd.f32 v4, v3;
	v4 =	vmul.f32 v5, v30  }
0x18e: {  	v5 =	vld.idx.msk [tilespmem:v57+s14+$0x0], $0xffff  }
0x18f: {  	v3 =	vadd.f32 v4, v3;
	v4 =	vmul.f32 v58, v31  }
0x190: {  	v62 =	vld.idx.msk [tilespmem:v59+s14+$0x0], $0xffff  }
0x191: {  	v3 =	vadd.f32 v4, v3;
	v4 =	vmul.f32 v60, v32  }
0x192: {  	v63 =	vld.idx.msk [tilespmem:v61+s14+$0x0], $0xffff  }
0x193: {  	v3 =	vadd.f32 v4, v3;
	v4 =	vmul.f32 v5, v33;
	_ =	sdelay $0x1  }
0x194: {  	v3 =	vadd.f32 v4, v3;
	v4 =	vmul.f32 v62, v34;
	_ =	sdelay $0x1  }
0x195: {  	v3 =	vadd.f32 v4, v3;
	v4 =	vmul.f32 v63, v35;
	_ =	sdelay $0x1  }
0x196: {  	v3 =	vadd.f32 v4, v3  }
0x197: {  	s0 =	sadd.s32 $0x10, s17  }
0x198: {  	s18 =	simm.s32 $0x200;
	[tilespmem:s0+$0x0] =	vst v3  }
0x199: {  	v3 =	vld [tilespmem:s18+$0x0];
	_ =	sdelay $0x4  }
0x19a: {  	v3 =	vshll.u32 v3, $0x4  }
0x19b: {  	(v2sf) =	vpush v3, $0x0  }
0x19c: {  	(v2sf) =	vpush v3, $0x1  }
0x19d: {  	(v2sf) =	vpush v3, $0x2;
	_ =	sdelay $0x1  }
0x19e: {  	(v2sf) =	vpush v3, $0x4;
	_ =	sdelay $0x1  }
0x19f: {  	(v2sf) =	vpush v3, $0x3  }
0x1a0: {  	(v2sf) =	vpush v3, $0x5  }
0x1a1: {  	s19 =	simm.s32 $0x2000;
	s17 =	simm.s32 $0x0;
	(v2sf) =	vpush v3, $0x6  }
.LBB2_6:
0x1a2: {  	p0 =	sne.s32 s19, $0x3E000  }
0x1a3: {  	s0 =	sadd.s32 $0x480, s17;
	s23 =	sadd.s32 $0x980, s17;
	s20 =	smov.u32 s19  }
0x1a4: {  	s19 =	sadd.s32 $0x2000, s19;
	s26 =	sadd.s32 $0x780, s17;
	s21 =	sadd.s32 $0xA00, s17;
	(v2sf) =	vpush v3, $0x7  }
0x1a5: {  	s29 =	sadd.s32 $0x680, s17;
	s25 =	sadd.s32 $0x800, s17;
	s22 =	sadd.s32 $0xA80, s17  }
0x1a6: {  	s2 =	sadd.s32 $0x400, s17;
	s5 =	sadd.s32 $0x600, s17;
	(v2sf) =	vpush v3, $0x8  }
0x1a7: {  	s11 =	sadd.s32 $0x700, s17;
	s18 =	sadd.s32 $0x10, s18  }
0x1a8: {  	s12 =	sadd.s32 $0x500, s17;
	s24 =	sadd.s32 $0x900, s17;
	s15 =	spop (v2sf);
	(v2sf) =	vpush v3, $0x9  }
0x1a9: {  	s28 =	sadd.s32 $0x880, s17;
	s15 =	sand.u32 $0x1FFFFFF0, s15;
	s30 =	spop (v2sf)  }
0x1aa: {  	s15 =	sadd.s32 s4, s15;
	s30 =	sand.u32 $0x1FFFFFF0, s30;
	s31 =	spop (v2sf);
	(v2sf) =	vpush v3, $0xA  }
0x1ab: {  	[tilespmem:s2], [sflag:$0x1] =	stream.linear.gather [hbm4b:s15+s1], $0x80, $0x38;
	[tilespmem:$0x10680] =	vst v63  }
0x1ac: {  	s2 =	sadd.s32 s4, s30;
	s15 =	sadd.s32 $0x580, s17;
	s30 =	spop (v2sf);
	(v2sf) =	vpush v3, $0xB  }
0x1ad: {  	[tilespmem:s0], [sflag:$0x1] =	stream.linear.gather [hbm4b:s2+s1], $0x80, $0x38;
	[tilespmem:$0x10680] =	vst v63  }
0x1ae: {  	s0 =	sand.u32 $0x1FFFFFF0, s31;
	s2 =	sand.u32 $0x1FFFFFF0, s30;
	s30 =	spop (v2sf);
	(v2sf) =	vpush v3, $0xC  }
0x1af: {  	s0 =	sadd.s32 s4, s0;
	s30 =	sand.u32 $0x1FFFFFF0, s30;
	s31 =	spop (v2sf)  }
0x1b0: {  	[tilespmem:s12], [sflag:$0x1] =	stream.linear.gather [hbm4b:s0+s1], $0x80, $0x38;
	(v2sf) =	vpush v3, $0xD;
	[tilespmem:$0x10680] =	vst v63  }
0x1b1: {  	s0 =	sadd.s32 s4, s30;
	s12 =	sand.u32 $0x1FFFFFF0, s31;
	s30 =	spop (v2sf)  }
0x1b2: {  	[tilespmem:s15], [sflag:$0x1] =	stream.linear.gather [hbm4b:s0+s1], $0x80, $0x38;
	(v2sf) =	vpush v3, $0xE;
	[tilespmem:$0x10680] =	vst v63  }
0x1b3: {  	s0 =	sadd.s32 s4, s2;
	s2 =	sand.u32 $0x1FFFFFF0, s30;
	s15 =	spop (v2sf)  }
0x1b4: {  	[tilespmem:s5], [sflag:$0x1] =	stream.linear.gather [hbm4b:s0+s1], $0x80, $0x38;
	(v2sf) =	vpush v3, $0xF;
	[tilespmem:$0x10680] =	vst v63  }
0x1b5: {  	s0 =	sadd.s32 s4, s12;
	s5 =	sand.u32 $0x1FFFFFF0, s15;
	s12 =	spop (v2sf)  }
0x1b6: {  	[tilespmem:s29], [sflag:$0x1] =	stream.linear.gather [hbm4b:s0+s1], $0x80, $0x38;
	[tilespmem:$0x10680] =	vst v63  }
0x1b7: {  	s0 =	sadd.s32 s4, s2;
	s2 =	sand.u32 $0x1FFFFFF0, s12;
	s12 =	spop (v2sf)  }
0x1b8: {  	[tilespmem:s11], [sflag:$0x1] =	stream.linear.gather [hbm4b:s0+s1], $0x80, $0x38;
	[tilespmem:$0x10680] =	vst v63  }
0x1b9: {  	s0 =	sadd.s32 s4, s5;
	s5 =	sand.u32 $0x1FFFFFF0, s12;
	s11 =	spop (v2sf)  }
0x1ba: {  	[tilespmem:s26], [sflag:$0x1] =	stream.linear.gather [hbm4b:s0+s1], $0x80, $0x38;
	[tilespmem:$0x10680] =	vst v63  }
0x1bb: {  	s0 =	sadd.s32 s4, s2;
	s2 =	sand.u32 $0x1FFFFFF0, s11;
	s11 =	spop (v2sf)  }
0x1bc: {  	[tilespmem:s25], [sflag:$0x1] =	stream.linear.gather [hbm4b:s0+s1], $0x80, $0x38;
	[tilespmem:$0x10680] =	vst v63  }
0x1bd: {  	s0 =	sadd.s32 s4, s5;
	s5 =	sand.u32 $0x1FFFFFF0, s11;
	s11 =	spop (v2sf)  }
0x1be: {  	[tilespmem:s28], [sflag:$0x1] =	stream.linear.gather [hbm4b:s0+s1], $0x80, $0x38;
	[tilespmem:$0x10680] =	vst v63  }
0x1bf: {  	s0 =	sadd.s32 s4, s2;
	s2 =	sand.u32 $0x1FFFFFF0, s11;
	s11 =	spop (v2sf)  }
0x1c0: {  	[tilespmem:s24], [sflag:$0x1] =	stream.linear.gather [hbm4b:s0+s1], $0x80, $0x38;
	[tilespmem:$0x10680] =	vst v63  }
0x1c1: {  	s0 =	sadd.s32 s4, s5;
	s5 =	sand.u32 $0x1FFFFFF0, s11;
	s11 =	spop (v2sf)  }
0x1c2: {  	[tilespmem:s23], [sflag:$0x1] =	stream.linear.gather [hbm4b:s0+s1], $0x80, $0x38;
	[tilespmem:$0x10680] =	vst v63  }
0x1c3: {  	s0 =	sadd.s32 s4, s2;
	s2 =	sand.u32 $0x1FFFFFF0, s11;
	s11 =	spop (v2sf)  }
0x1c4: {  	[tilespmem:s21], [sflag:$0x1] =	stream.linear.gather [hbm4b:s0+s1], $0x80, $0x38;
	[tilespmem:$0x10680] =	vst v63  }
0x1c5: {  	s0 =	sadd.s32 s4, s5;
	s5 =	sand.u32 $0x1FFFFFF0, s11  }
0x1c6: {  	[tilespmem:s22], [sflag:$0x1] =	stream.linear.gather [hbm4b:s0+s1], $0x80, $0x38;
	[tilespmem:$0x10680] =	vst v63  }
0x1c7: {  	s2 =	sadd.s32 s4, s2;
	s0 =	sadd.s32 $0xB00, s17  }
0x1c8: {  	[tilespmem:s0], [sflag:$0x1] =	stream.linear.gather [hbm4b:s2+s1], $0x80, $0x38;
	[tilespmem:$0x10680] =	vst v63  }
0x1c9: {  	s0 =	sadd.s32 $0xB80, s17;
	s2 =	sadd.s32 s4, s5  }
0x1ca: {  	[tilespmem:s0], [sflag:$0x1] =	stream.linear.gather [hbm4b:s2+s1], $0x80, $0x38;
	[tilespmem:$0x10680] =	vst v63  }
0x1cb: {  	v3 =	vld [tilespmem:s18+$0x0];
	_ =	sdelay $0x4  }
0x1cc: {  	v3 =	vshll.u32 v3, $0x4  }
0x1cd: {  	(v2sf) =	vpush v3, $0x0  }
0x1ce: {  	(v2sf) =	vpush v3, $0x1  }
0x1cf: {  	(v2sf) =	vpush v3, $0x2;
	_ =	sdelay $0x1  }
0x1d0: {  	(v2sf) =	vpush v3, $0x4  }
.Ltmp2:
0x1d1: {  	(pc) =	sbr.rel @p0 .LBB2_6-.Ltmp2, $3  }
0x1d2: {  	(v2sf) =	vpush v3, $0x3  }
0x1d3: {  	(v2sf) =	vpush v3, $0x5;
	_ =	sdelay $0x1  }
0x1d4: {  	s17 =	sshra.s32 s20, $0x2;
	(v2sf) =	vpush v3, $0x6  }
0x1d5: {  	_ =	sdelay $0x1  }
0x1d6: {  	(v2sf) =	vpush v3, $0x7  }
0x1d7: {  	s0 =	sadd.s32 $0x480, s17;
	s18 =	sadd.s32 $0x980, s17;
	s2 =	sadd.s32 $0x780, s17  }
0x1d8: {  	s5 =	sadd.s32 $0x680, s17;
	s11 =	sadd.s32 $0x800, s17;
	s12 =	sadd.s32 $0x400, s17;
	(v2sf) =	vpush v3, $0x8  }
0x1d9: {  	s15 =	sadd.s32 $0x600, s17;
	s19 =	sadd.s32 $0x700, s17;
	s20 =	spop (v2sf)  }
0x1da: {  	s21 =	sadd.s32 $0x500, s17;
	s20 =	sand.u32 $0x1FFFFFF0, s20;
	s22 =	spop (v2sf)  }
0x1db: {  	s20 =	sadd.s32 s4, s20;
	s22 =	sand.u32 $0x1FFFFFF0, s22;
	s23 =	spop (v2sf)  }
0x1dc: {  	(v2sf) =	vpush v3, $0x9;
	[tilespmem:s12], [sflag:$0x1] =	stream.linear.gather [hbm4b:s20+s1], $0x80, $0x38;
	[tilespmem:$0x10680] =	vst v63  }
0x1dd: {  	s24 =	sadd.s32 $0x580, s17;
	s30 =	sadd.s32 s4, s22;
	s31 =	spop (v2sf)  }
0x1de: {  	(v2sf) =	vpush v3, $0xA;
	[tilespmem:s0], [sflag:$0x1] =	stream.linear.gather [hbm4b:s30+s1], $0x80, $0x38;
	[tilespmem:$0x10680] =	vst v63  }
0x1df: {  	s12 =	sadd.s32 $0x900, s17;
	s25 =	sand.u32 $0x1FFFFFF0, s23;
	s26 =	spop (v2sf)  }
0x1e0: {  	s22 =	sadd.s32 $0xA00, s17;
	(v2sf) =	vpush v3, $0xB;
	s20 =	sadd.s32 s4, s25;
	s23 =	sand.u32 $0x1FFFFFF0, s26  }
0x1e1: {  	[tilespmem:s21], [sflag:$0x1] =	stream.linear.gather [hbm4b:s20+s1], $0x80, $0x38;
	[tilespmem:$0x10680] =	vst v63  }
0x1e2: {  	s0 =	sadd.s32 $0x880, s17;
	(v2sf) =	vpush v3, $0xC;
	s29 =	spop (v2sf);
	s30 =	sadd.s32 s4, s23  }
0x1e3: {  	[tilespmem:s24], [sflag:$0x1] =	stream.linear.gather [hbm4b:s30+s1], $0x80, $0x38;
	[tilespmem:$0x10680] =	vst v63  }
0x1e4: {  	s28 =	sand.u32 $0x1FFFFFF0, s31;
	(v2sf) =	vpush v3, $0xD;
	s21 =	sand.u32 $0x1FFFFFF0, s29;
	s31 =	spop (v2sf)  }
0x1e5: {  	s20 =	sadd.s32 s4, s28;
	s21 =	sadd.s32 s4, s21;
	s24 =	spop (v2sf)  }
0x1e6: {  	(v2sf) =	vpush v3, $0xE;
	[tilespmem:s15], [sflag:$0x1] =	stream.linear.gather [hbm4b:s20+s1], $0x80, $0x38;
	[tilespmem:$0x10680] =	vst v63  }
0x1e7: {  	s23 =	sand.u32 $0x1FFFFFF0, s31;
	s25 =	sand.u32 $0x1FFFFFF0, s24;
	s26 =	spop (v2sf)  }
0x1e8: {  	(v2sf) =	vpush v3, $0xF;
	[tilespmem:s5], [sflag:$0x1] =	stream.linear.gather [hbm4b:s21+s1], $0x80, $0x38;
	[tilespmem:$0x10680] =	vst v63  }
0x1e9: {  	s15 =	sadd.s32 s4, s23;
	s23 =	sadd.s32 $0xA80, s17;
	s28 =	sand.u32 $0x1FFFFFF0, s26  }
0x1ea: {  	[tilespmem:s19], [sflag:$0x1] =	stream.linear.gather [hbm4b:s15+s1], $0x80, $0x38;
	[tilespmem:$0x10680] =	vst v63  }
0x1eb: {  	s5 =	sadd.s32 s4, s25;
	s15 =	sadd.s32 s4, s28;
	s29 =	spop (v2sf)  }
0x1ec: {  	[tilespmem:s2], [sflag:$0x1] =	stream.linear.gather [hbm4b:s5+s1], $0x80, $0x38;
	[tilespmem:$0x10680] =	vst v63  }
0x1ed: {  	s28 =	simm.s32 $0x0;
	s30 =	sand.u32 $0x1FFFFFF0, s29;
	s31 =	spop (v2sf)  }
0x1ee: {  	[tilespmem:s11], [sflag:$0x1] =	stream.linear.gather [hbm4b:s15+s1], $0x80, $0x38;
	[tilespmem:$0x10680] =	vst v63  }
0x1ef: {  	s5 =	sand.u32 $0x1FFFFFF0, s31;
	s2 =	sadd.s32 s4, s30;
	s15 =	spop (v2sf)  }
0x1f0: {  	[tilespmem:s0], [sflag:$0x1] =	stream.linear.gather [hbm4b:s2+s1], $0x80, $0x38;
	[tilespmem:$0x10680] =	vst v63  }
0x1f1: {  	s5 =	sadd.s32 s4, s5;
	s19 =	sand.u32 $0x1FFFFFF0, s15;
	s20 =	spop (v2sf)  }
0x1f2: {  	[tilespmem:s12], [sflag:$0x1] =	stream.linear.gather [hbm4b:s5+s1], $0x80, $0x38;
	[tilespmem:$0x10680] =	vst v63  }
0x1f3: {  	s0 =	sadd.s32 s4, s19;
	s2 =	sand.u32 $0x1FFFFFF0, s20;
	s21 =	spop (v2sf)  }
0x1f4: {  	[tilespmem:s18], [sflag:$0x1] =	stream.linear.gather [hbm4b:s0+s1], $0x80, $0x38;
	[tilespmem:$0x10680] =	vst v63  }
0x1f5: {  	s5 =	sand.u32 $0x1FFFFFF0, s21;
	s2 =	sadd.s32 s4, s2;
	s24 =	spop (v2sf)  }
0x1f6: {  	[tilespmem:s22], [sflag:$0x1] =	stream.linear.gather [hbm4b:s2+s1], $0x80, $0x38;
	[tilespmem:$0x10680] =	vst v63  }
0x1f7: {  	s5 =	sadd.s32 s4, s5;
	s25 =	sand.u32 $0x1FFFFFF0, s24;
	s26 =	spop (v2sf)  }
0x1f8: {  	[tilespmem:s23], [sflag:$0x1] =	stream.linear.gather [hbm4b:s5+s1], $0x80, $0x38;
	[tilespmem:$0x10680] =	vst v63  }
0x1f9: {  	v3 =	vmov s28;
	s29 =	sadd.s32 $0xB00, s17;
	s0 =	sadd.s32 s4, s25;
	s2 =	sand.u32 $0x1FFFFFF0, s26  }
0x1fa: {  	v3 =	vshll.u32 v3, $0x7;
	[tilespmem:s29], [sflag:$0x1] =	stream.linear.gather [hbm4b:s0+s1], $0x80, $0x38;
	[tilespmem:$0x10680] =	vst v63  }
0x1fb: {  	s30 =	sadd.s32 $0xB80, s17;
	v31 =	vor.u32 v0, v3;
	s2 =	sadd.s32 s4, s2  }
0x1fc: {  	v3 =	vor.u32 $0x1, v31;
	[tilespmem:s30], [sflag:$0x1] =	stream.linear.gather [hbm4b:s2+s1], $0x80, $0x38;
	[tilespmem:$0x10680] =	vst v63  }
0x1fd: {  	_ =	swait.ge [sflag:s13], $0x10000  }
0x1fe: {  	v4 =	vor.u32 $0x2, v31;
	[sflag:s13] =	ssyncset.done $0x0  }
0x1ff: {  	[sflag:s13] =	ssyncadd.s32 $0xFFFF0000  }
0x200: {  	v5 =	vld.idx.msk [tilespmem:v31+s14+$0x0], $0xffff  }
0x201: {  	s17 =	simm.s32 $0x10480;
	v7 =	vor.u32 $0x3, v31;
	v8 =	vld.idx.msk [tilespmem:v3+s14+$0x0], $0xffff  }
0x202: {  	v9 =	vld [tilespmem:s17+$0x0]  }
0x203: {  	v6 =	vbroadcast v2, $0x0;
	v10 =	vor.u32 $0x4, v31;
	v11 =	vld.idx.msk [tilespmem:v4+s14+$0x0], $0xffff;
	_ =	sdelay $0x1  }
0x204: {  	v12 =	vor.u32 $0x5, v31;
	v4 =	vbroadcast v2, $0x1;
	v5 =	vmul.f32 v5, v6  }
0x205: {  	v3 =	vbroadcast v2, $0x2;
	v13 =	vld.idx.msk [tilespmem:v7+s14+$0x0], $0xffff  }
0x206: {  	v14 =	vor.u32 $0x6, v31;
	v8 =	vmul.f32 v8, v4;
	v7 =	vadd.f32 v5, v9  }
0x207: {  	v11 =	vmul.f32 v11, v3;
	v9 =	vld.idx.msk [tilespmem:v10+s14+$0x0], $0xffff  }
0x208: {  	v5 =	vbroadcast v2, $0x3;
	v10 =	vor.u32 $0x7, v31;
	v8 =	vadd.f32 v8, v7  }
0x209: {  	v15 =	vor.u32 $0x8, v31;
	v12 =	vld.idx.msk [tilespmem:v12+s14+$0x0], $0xffff  }
0x20a: {  	v7 =	vbroadcast v2, $0x4;
	v13 =	vmul.f32 v13, v5;
	v11 =	vadd.f32 v11, v8  }
0x20b: {  	v16 =	vor.u32 $0x9, v31;
	v14 =	vld.idx.msk [tilespmem:v14+s14+$0x0], $0xffff  }
0x20c: {  	v8 =	vbroadcast v2, $0x5;
	v11 =	vadd.f32 v13, v11;
	v13 =	vmul.f32 v9, v7  }
0x20d: {  	v18 =	vor.u32 $0xA, v31;
	v17 =	vld.idx.msk [tilespmem:v10+s14+$0x0], $0xffff  }
0x20e: {  	v9 =	vbroadcast v2, $0x6;
	v12 =	vmul.f32 v12, v8;
	v11 =	vadd.f32 v13, v11  }
0x20f: {  	v10 =	vbroadcast v2, $0x7;
	v13 =	vld.idx.msk [tilespmem:v15+s14+$0x0], $0xffff  }
0x210: {  	v15 =	vor.u32 $0xB, v31;
	v14 =	vmul.f32 v14, v9;
	v12 =	vadd.f32 v12, v11  }
0x211: {  	v19 =	vor.u32 $0xC, v31;
	v16 =	vld.idx.msk [tilespmem:v16+s14+$0x0], $0xffff  }
0x212: {  	v11 =	vbroadcast v2, $0x8;
	v17 =	vmul.f32 v17, v10;
	v14 =	vadd.f32 v14, v12  }
0x213: {  	v20 =	vor.u32 $0xD, v31;
	v18 =	vld.idx.msk [tilespmem:v18+s14+$0x0], $0xffff  }
0x214: {  	v12 =	vbroadcast v2, $0x9;
	v14 =	vadd.f32 v17, v14;
	v17 =	vmul.f32 v13, v11  }
0x215: {  	v22 =	vor.u32 $0xE, v31;
	v21 =	vld.idx.msk [tilespmem:v15+s14+$0x0], $0xffff  }
0x216: {  	v13 =	vbroadcast v2, $0xA;
	v16 =	vmul.f32 v16, v12;
	v15 =	vadd.f32 v17, v14  }
0x217: {  	v14 =	vbroadcast v2, $0xB;
	v17 =	vld.idx.msk [tilespmem:v19+s14+$0x0], $0xffff  }
0x218: {  	v19 =	vor.u32 $0xF, v31;
	v18 =	vmul.f32 v18, v13;
	v16 =	vadd.f32 v16, v15  }
0x219: {  	v23 =	vor.u32 $0x10, v31;
	v20 =	vld.idx.msk [tilespmem:v20+s14+$0x0], $0xffff  }
0x21a: {  	v15 =	vbroadcast v2, $0xC;
	v21 =	vmul.f32 v21, v14;
	v18 =	vadd.f32 v18, v16  }
0x21b: {  	v24 =	vor.u32 $0x11, v31;
	v22 =	vld.idx.msk [tilespmem:v22+s14+$0x0], $0xffff  }
0x21c: {  	v16 =	vbroadcast v2, $0xD;
	v18 =	vadd.f32 v21, v18;
	v21 =	vmul.f32 v17, v15  }
0x21d: {  	v25 =	vor.u32 $0x12, v31;
	v19 =	vld.idx.msk [tilespmem:v19+s14+$0x0], $0xffff  }
0x21e: {  	v17 =	vbroadcast v2, $0xE;
	v20 =	vmul.f32 v20, v16;
	v18 =	vadd.f32 v21, v18  }
0x21f: {  	v2 =	vbroadcast v2, $0xF;
	v21 =	vld.idx.msk [tilespmem:v23+s14+$0x0], $0xffff  }
0x220: {  	v23 =	vor.u32 $0x13, v31;
	v22 =	vmul.f32 v22, v17;
	v20 =	vadd.f32 v20, v18  }
0x221: {  	v26 =	vor.u32 $0x14, v31;
	v24 =	vld.idx.msk [tilespmem:v24+s14+$0x0], $0xffff  }
0x222: {  	v18 =	vbroadcast v1, $0x0;
	v20 =	vadd.f32 v22, v20;
	v22 =	vmul.f32 v19, v2  }
0x223: {  	v27 =	vor.u32 $0x15, v31;
	v25 =	vld.idx.msk [tilespmem:v25+s14+$0x0], $0xffff  }
0x224: {  	v19 =	vbroadcast v1, $0x1;
	v21 =	vmul.f32 v21, v18;
	v22 =	vadd.f32 v22, v20  }
0x225: {  	v28 =	vor.u32 $0x16, v31;
	v23 =	vld.idx.msk [tilespmem:v23+s14+$0x0], $0xffff  }
0x226: {  	v20 =	vbroadcast v1, $0x2;
	v24 =	vmul.f32 v24, v19;
	v22 =	vadd.f32 v21, v22  }
0x227: {  	v29 =	vor.u32 $0x17, v31;
	v26 =	vld.idx.msk [tilespmem:v26+s14+$0x0], $0xffff  }
0x228: {  	v21 =	vbroadcast v1, $0x3;
	v25 =	vmul.f32 v25, v20;
	v24 =	vadd.f32 v24, v22  }
0x229: {  	v30 =	vor.u32 $0x18, v31;
	v27 =	vld.idx.msk [tilespmem:v27+s14+$0x0], $0xffff  }
0x22a: {  	v22 =	vbroadcast v1, $0x4;
	v24 =	vadd.f32 v25, v24;
	v25 =	vmul.f32 v23, v21  }
0x22b: {  	v32 =	vor.u32 $0x19, v31;
	v28 =	vld.idx.msk [tilespmem:v28+s14+$0x0], $0xffff  }
0x22c: {  	v23 =	vbroadcast v1, $0x5;
	v26 =	vmul.f32 v26, v22;
	v25 =	vadd.f32 v25, v24  }
0x22d: {  	v33 =	vor.u32 $0x1A, v31;
	v29 =	vld.idx.msk [tilespmem:v29+s14+$0x0], $0xffff  }
0x22e: {  	v24 =	vbroadcast v1, $0x6;
	v27 =	vmul.f32 v27, v23;
	v26 =	vadd.f32 v26, v25  }
0x22f: {  	v34 =	vor.u32 $0x1B, v31;
	v30 =	vld.idx.msk [tilespmem:v30+s14+$0x0], $0xffff  }
0x230: {  	v25 =	vbroadcast v1, $0x7;
	v28 =	vmul.f32 v28, v24;
	v27 =	vadd.f32 v27, v26  }
0x231: {  	v35 =	vor.u32 $0x1C, v31;
	v32 =	vld.idx.msk [tilespmem:v32+s14+$0x0], $0xffff  }
0x232: {  	v26 =	vbroadcast v1, $0x8;
	v29 =	vmul.f32 v29, v25;
	v28 =	vadd.f32 v28, v27  }
0x233: {  	v36 =	vor.u32 $0x1D, v31;
	v33 =	vld.idx.msk [tilespmem:v33+s14+$0x0], $0xffff  }
0x234: {  	v27 =	vbroadcast v1, $0x9;
	v30 =	vmul.f32 v30, v26;
	v29 =	vadd.f32 v29, v28  }
0x235: {  	v37 =	vor.u32 $0x1E, v31;
	v34 =	vld.idx.msk [tilespmem:v34+s14+$0x0], $0xffff  }
0x236: {  	v28 =	vbroadcast v1, $0xA;
	v32 =	vmul.f32 v32, v27;
	v30 =	vadd.f32 v30, v29  }
0x237: {  	v63 =	vor.u32 $0x1F, v31;
	v35 =	vld.idx.msk [tilespmem:v35+s14+$0x0], $0xffff  }
0x238: {  	v29 =	vbroadcast v1, $0xB;
	v33 =	vmul.f32 v33, v28;
	v32 =	vadd.f32 v32, v30  }
0x239: {  	v36 =	vld.idx.msk [tilespmem:v36+s14+$0x0], $0xffff  }
0x23a: {  	v30 =	vbroadcast v1, $0xC;
	v62 =	vmul.f32 v34, v29;
	v32 =	vadd.f32 v33, v32  }
0x23b: {  	v37 =	vld.idx.msk [tilespmem:v37+s14+$0x0], $0xffff  }
0x23c: {  	v31 =	vbroadcast v1, $0xD;
	v35 =	vmul.f32 v35, v30;
	v33 =	vadd.f32 v62, v32  }
0x23d: {  	v34 =	vld.idx.msk [tilespmem:v63+s14+$0x0], $0xffff  }
0x23e: {  	v36 =	vmul.f32 v36, v31;
	v32 =	vbroadcast v1, $0xE;
	v35 =	vadd.f32 v35, v33  }
0x23f: {  	s31 =	simm.s32 $0x10;
	v1 =	vbroadcast v1, $0xF  }
0x240: {  	s18 =	simm.s32 $0x20;
	v33 =	vmov s31;
	v35 =	vadd.f32 v36, v35;
	v36 =	vmul.f32 v37, v32  }
.LBB2_8:
0x241: {  	p0 =	sne.s32 s18, $0x1F0;
	v33 =	vshll.u32 v33, $0x7  }
0x242: {  	v34 =	vmul.f32 v34, v1;
	v33 =	vor.u32 v0, v33;
	v35 =	vadd.f32 v36, v35;
	_ =	sdelay $0x1  }
0x243: {  	v36 =	vor.u32 $0x1, v33;
	v34 =	vadd.f32 v34, v35;
	_ =	sdelay $0x1  }
0x244: {  	v35 =	vor.u32 $0x2, v33;
	[tilespmem:s17+$0x0] =	vst v34  }
0x245: {  	v34 =	vld.idx.msk [tilespmem:v33+s14+$0x0], $0xffff  }
0x246: {  	v37 =	vor.u32 $0x3, v33  }
0x247: {  	s17 =	sadd.s32 $0x10, s17;
	v36 =	vld.idx.msk [tilespmem:v36+s14+$0x0], $0xffff  }
0x248: {  	v39 =	vor.u32 $0x4, v33;
	v38 =	vld [tilespmem:s17+$0x0]  }
0x249: {  	v35 =	vld.idx.msk [tilespmem:v35+s14+$0x0], $0xffff  }
0x24a: {  	v40 =	vor.u32 $0x5, v33  }
0x24b: {  	v34 =	vmul.f32 v34, v6;
	v37 =	vld.idx.msk [tilespmem:v37+s14+$0x0], $0xffff  }
0x24c: {  	v41 =	vor.u32 $0x6, v33  }
0x24d: {  	v36 =	vmul.f32 v36, v4;
	v34 =	vadd.f32 v34, v38;
	v38 =	vld.idx.msk [tilespmem:v39+s14+$0x0], $0xffff  }
0x24e: {  	v39 =	vor.u32 $0x7, v33  }
0x24f: {  	v35 =	vmul.f32 v35, v3;
	v34 =	vadd.f32 v36, v34;
	v36 =	vld.idx.msk [tilespmem:v40+s14+$0x0], $0xffff  }
0x250: {  	v40 =	vor.u32 $0x8, v33  }
0x251: {  	v34 =	vadd.f32 v35, v34;
	v35 =	vmul.f32 v37, v5;
	v37 =	vld.idx.msk [tilespmem:v41+s14+$0x0], $0xffff  }
0x252: {  	v41 =	vor.u32 $0x9, v33  }
0x253: {  	v34 =	vadd.f32 v35, v34;
	v35 =	vmul.f32 v38, v7;
	v38 =	vld.idx.msk [tilespmem:v39+s14+$0x0], $0xffff  }
0x254: {  	v39 =	vor.u32 $0xA, v33  }
0x255: {  	v34 =	vadd.f32 v35, v34;
	v35 =	vmul.f32 v36, v8;
	v36 =	vld.idx.msk [tilespmem:v40+s14+$0x0], $0xffff  }
0x256: {  	v40 =	vor.u32 $0xB, v33  }
0x257: {  	v34 =	vadd.f32 v35, v34;
	v35 =	vmul.f32 v37, v9;
	v37 =	vld.idx.msk [tilespmem:v41+s14+$0x0], $0xffff  }
0x258: {  	v41 =	vor.u32 $0xC, v33  }
0x259: {  	v34 =	vadd.f32 v35, v34;
	v35 =	vmul.f32 v38, v10;
	v38 =	vld.idx.msk [tilespmem:v39+s14+$0x0], $0xffff  }
0x25a: {  	v39 =	vor.u32 $0xD, v33  }
0x25b: {  	v34 =	vadd.f32 v35, v34;
	v35 =	vmul.f32 v36, v11;
	v36 =	vld.idx.msk [tilespmem:v40+s14+$0x0], $0xffff  }
0x25c: {  	v40 =	vor.u32 $0xE, v33  }
0x25d: {  	v34 =	vadd.f32 v35, v34;
	v35 =	vmul.f32 v37, v12;
	v37 =	vld.idx.msk [tilespmem:v41+s14+$0x0], $0xffff  }
0x25e: {  	v41 =	vor.u32 $0xF, v33  }
0x25f: {  	v34 =	vadd.f32 v35, v34;
	v35 =	vmul.f32 v38, v13;
	v38 =	vld.idx.msk [tilespmem:v39+s14+$0x0], $0xffff  }
0x260: {  	v39 =	vor.u32 $0x10, v33  }
0x261: {  	v34 =	vadd.f32 v35, v34;
	v35 =	vmul.f32 v36, v14;
	v36 =	vld.idx.msk [tilespmem:v40+s14+$0x0], $0xffff  }
0x262: {  	v40 =	vor.u32 $0x11, v33  }
0x263: {  	v34 =	vadd.f32 v35, v34;
	v35 =	vmul.f32 v37, v15;
	v37 =	vld.idx.msk [tilespmem:v41+s14+$0x0], $0xffff  }
0x264: {  	v41 =	vor.u32 $0x12, v33  }
0x265: {  	v34 =	vadd.f32 v35, v34;
	v35 =	vmul.f32 v38, v16;
	v38 =	vld.idx.msk [tilespmem:v39+s14+$0x0], $0xffff  }
0x266: {  	v39 =	vor.u32 $0x13, v33  }
0x267: {  	v34 =	vadd.f32 v35, v34;
	v35 =	vmul.f32 v36, v17;
	v36 =	vld.idx.msk [tilespmem:v40+s14+$0x0], $0xffff  }
0x268: {  	v40 =	vor.u32 $0x14, v33  }
0x269: {  	v34 =	vadd.f32 v35, v34;
	v35 =	vmul.f32 v37, v2;
	v37 =	vld.idx.msk [tilespmem:v41+s14+$0x0], $0xffff  }
0x26a: {  	v41 =	vor.u32 $0x15, v33  }
0x26b: {  	v34 =	vadd.f32 v35, v34;
	v35 =	vmul.f32 v38, v18;
	v38 =	vld.idx.msk [tilespmem:v39+s14+$0x0], $0xffff  }
0x26c: {  	v39 =	vor.u32 $0x16, v33  }
0x26d: {  	v34 =	vadd.f32 v35, v34;
	v35 =	vmul.f32 v36, v19;
	v36 =	vld.idx.msk [tilespmem:v40+s14+$0x0], $0xffff  }
0x26e: {  	v40 =	vor.u32 $0x17, v33  }
0x26f: {  	v34 =	vadd.f32 v35, v34;
	v35 =	vmul.f32 v37, v20;
	v37 =	vld.idx.msk [tilespmem:v41+s14+$0x0], $0xffff  }
0x270: {  	v41 =	vor.u32 $0x18, v33  }
0x271: {  	v34 =	vadd.f32 v35, v34;
	v35 =	vmul.f32 v38, v21;
	v38 =	vld.idx.msk [tilespmem:v39+s14+$0x0], $0xffff  }
0x272: {  	v39 =	vor.u32 $0x19, v33  }
0x273: {  	v34 =	vadd.f32 v35, v34;
	v35 =	vmul.f32 v36, v22;
	v36 =	vld.idx.msk [tilespmem:v40+s14+$0x0], $0xffff  }
0x274: {  	v40 =	vor.u32 $0x1A, v33  }
0x275: {  	v34 =	vadd.f32 v35, v34;
	v35 =	vmul.f32 v37, v23;
	v37 =	vld.idx.msk [tilespmem:v41+s14+$0x0], $0xffff  }
0x276: {  	v41 =	vor.u32 $0x1B, v33  }
0x277: {  	v34 =	vadd.f32 v35, v34;
	v35 =	vmul.f32 v38, v24;
	v38 =	vld.idx.msk [tilespmem:v39+s14+$0x0], $0xffff  }
0x278: {  	v39 =	vor.u32 $0x1C, v33  }
0x279: {  	v34 =	vadd.f32 v35, v34;
	v35 =	vmul.f32 v36, v25;
	v36 =	vld.idx.msk [tilespmem:v40+s14+$0x0], $0xffff  }
0x27a: {  	v40 =	vor.u32 $0x1D, v33  }
0x27b: {  	v34 =	vadd.f32 v35, v34;
	v35 =	vmul.f32 v37, v26;
	v37 =	vld.idx.msk [tilespmem:v41+s14+$0x0], $0xffff  }
0x27c: {  	v41 =	vor.u32 $0x1E, v33  }
0x27d: {  	v34 =	vadd.f32 v35, v34;
	v35 =	vmul.f32 v38, v27;
	v38 =	vld.idx.msk [tilespmem:v39+s14+$0x0], $0xffff  }
0x27e: {  	v33 =	vor.u32 $0x1F, v33  }
0x27f: {  	v34 =	vadd.f32 v35, v34;
	v35 =	vmul.f32 v36, v28;
	v36 =	vld.idx.msk [tilespmem:v40+s14+$0x0], $0xffff;
	_ =	sdelay $0x1  }
0x280: {  	v34 =	vadd.f32 v35, v34;
	v35 =	vmul.f32 v37, v29;
	v37 =	vld.idx.msk [tilespmem:v41+s14+$0x0], $0xffff;
	_ =	sdelay $0x1  }
.Ltmp3:
0x281: {  	v38 =	vmul.f32 v38, v30;
	v35 =	vadd.f32 v35, v34;
	v34 =	vld.idx.msk [tilespmem:v33+s14+$0x0], $0xffff;
	(pc) =	sbr.rel @p0 .LBB2_8-.Ltmp3, $3  }
0x282: {  	_ = 	snop  }
0x283: {  	v36 =	vmul.f32 v36, v31;
	v35 =	vadd.f32 v38, v35;
	_ =	sdelay $0x1  }
0x284: {  	v33 =	vmov s18;
	s18 =	sadd.s32 $0x10, s18;
	v35 =	vadd.f32 v36, v35;
	v36 =	vmul.f32 v37, v32  }
0x285: {  	v33 =	vshll.u32 v33, $0x7  }
0x286: {  	v34 =	vmul.f32 v34, v1;
	v33 =	vor.u32 v0, v33;
	v35 =	vadd.f32 v36, v35;
	_ =	sdelay $0x1  }
0x287: {  	v54 =	vor.u32 $0x1, v33;
	v34 =	vadd.f32 v34, v35;
	_ =	sdelay $0x1  }
0x288: {  	v55 =	vor.u32 $0x2, v33;
	[tilespmem:s17+$0x0] =	vst v34  }
0x289: {  	s31 =	sadd.s32 $0x10, s17;
	v34 =	vld.idx.msk [tilespmem:v33+s14+$0x0], $0xffff  }
0x28a: {  	v37 =	vor.u32 $0x3, v33;
	v38 =	vld [tilespmem:s31+$0x0]  }
0x28b: {  	v36 =	vld.idx.msk [tilespmem:v54+s14+$0x0], $0xffff  }
0x28c: {  	v39 =	vor.u32 $0x4, v33  }
0x28d: {  	v35 =	vld.idx.msk [tilespmem:v55+s14+$0x0], $0xffff  }
0x28e: {  	v40 =	vor.u32 $0x5, v33;
	v6 =	vmul.f32 v34, v6  }
0x28f: {  	v56 =	vld.idx.msk [tilespmem:v37+s14+$0x0], $0xffff  }
0x290: {  	v57 =	vor.u32 $0x6, v33;
	v4 =	vmul.f32 v36, v4;
	v6 =	vadd.f32 v6, v38  }
0x291: {  	v58 =	vld.idx.msk [tilespmem:v39+s14+$0x0], $0xffff  }
0x292: {  	v59 =	vor.u32 $0x7, v33;
	v3 =	vmul.f32 v35, v3;
	v4 =	vadd.f32 v4, v6  }
0x293: {  	v60 =	vld.idx.msk [tilespmem:v40+s14+$0x0], $0xffff  }
0x294: {  	v61 =	vor.u32 $0x8, v33;
	v62 =	vmul.f32 v56, v5;
	v3 =	vadd.f32 v3, v4  }
0x295: {  	v63 =	vld.idx.msk [tilespmem:v57+s14+$0x0], $0xffff  }
0x296: {  	v40 =	vor.u32 $0x9, v33;
	v41 =	vmul.f32 v58, v7;
	v3 =	vadd.f32 v62, v3  }
0x297: {  	v42 =	vld.idx.msk [tilespmem:v59+s14+$0x0], $0xffff  }
0x298: {  	v43 =	vor.u32 $0xA, v33;
	v44 =	vmul.f32 v60, v8;
	v3 =	vadd.f32 v41, v3  }
0x299: {  	v45 =	vld.idx.msk [tilespmem:v61+s14+$0x0], $0xffff  }
0x29a: {  	v46 =	vor.u32 $0xB, v33;
	v47 =	vmul.f32 v63, v9;
	v3 =	vadd.f32 v44, v3  }
0x29b: {  	v48 =	vld.idx.msk [tilespmem:v40+s14+$0x0], $0xffff  }
0x29c: {  	v49 =	vor.u32 $0xC, v33;
	v50 =	vmul.f32 v42, v10;
	v3 =	vadd.f32 v47, v3  }
0x29d: {  	v51 =	vld.idx.msk [tilespmem:v43+s14+$0x0], $0xffff  }
0x29e: {  	v52 =	vor.u32 $0xD, v33;
	v53 =	vmul.f32 v45, v11;
	v3 =	vadd.f32 v50, v3  }
0x29f: {  	v54 =	vld.idx.msk [tilespmem:v46+s14+$0x0], $0xffff  }
0x2a0: {  	v55 =	vor.u32 $0xE, v33;
	v56 =	vmul.f32 v48, v12;
	v3 =	vadd.f32 v53, v3  }
0x2a1: {  	v57 =	vld.idx.msk [tilespmem:v49+s14+$0x0], $0xffff  }
0x2a2: {  	v58 =	vor.u32 $0xF, v33;
	v59 =	vmul.f32 v51, v13;
	v3 =	vadd.f32 v56, v3  }
0x2a3: {  	v60 =	vld.idx.msk [tilespmem:v52+s14+$0x0], $0xffff  }
0x2a4: {  	v61 =	vor.u32 $0x10, v33;
	v62 =	vmul.f32 v54, v14;
	v3 =	vadd.f32 v59, v3  }
0x2a5: {  	v63 =	vld.idx.msk [tilespmem:v55+s14+$0x0], $0xffff  }
0x2a6: {  	v13 =	vmul.f32 v57, v15;
	v12 =	vor.u32 $0x11, v33;
	v3 =	vadd.f32 v62, v3  }
0x2a7: {  	v14 =	vld.idx.msk [tilespmem:v58+s14+$0x0], $0xffff  }
0x2a8: {  	v15 =	vor.u32 $0x12, v33;
	v16 =	vmul.f32 v60, v16;
	v3 =	vadd.f32 v13, v3  }
0x2a9: {  	v34 =	vld.idx.msk [tilespmem:v61+s14+$0x0], $0xffff  }
0x2aa: {  	v35 =	vor.u32 $0x13, v33;
	v36 =	vmul.f32 v63, v17;
	v3 =	vadd.f32 v16, v3  }
0x2ab: {  	v37 =	vld.idx.msk [tilespmem:v12+s14+$0x0], $0xffff  }
0x2ac: {  	v38 =	vor.u32 $0x14, v33;
	v2 =	vmul.f32 v14, v2;
	v3 =	vadd.f32 v36, v3  }
0x2ad: {  	v39 =	vld.idx.msk [tilespmem:v15+s14+$0x0], $0xffff  }
0x2ae: {  	v40 =	vor.u32 $0x15, v33;
	v2 =	vadd.f32 v2, v3;
	v3 =	vmul.f32 v34, v18  }
0x2af: {  	v41 =	vld.idx.msk [tilespmem:v35+s14+$0x0], $0xffff  }
0x2b0: {  	v42 =	vor.u32 $0x16, v33;
	v2 =	vadd.f32 v3, v2;
	v3 =	vmul.f32 v37, v19  }
0x2b1: {  	v43 =	vld.idx.msk [tilespmem:v38+s14+$0x0], $0xffff  }
0x2b2: {  	v44 =	vor.u32 $0x17, v33;
	v2 =	vadd.f32 v3, v2;
	v3 =	vmul.f32 v39, v20  }
0x2b3: {  	v45 =	vld.idx.msk [tilespmem:v40+s14+$0x0], $0xffff  }
0x2b4: {  	v46 =	vor.u32 $0x18, v33;
	v2 =	vadd.f32 v3, v2;
	v3 =	vmul.f32 v41, v21  }
0x2b5: {  	v47 =	vld.idx.msk [tilespmem:v42+s14+$0x0], $0xffff  }
0x2b6: {  	v48 =	vor.u32 $0x19, v33;
	v2 =	vadd.f32 v3, v2;
	v3 =	vmul.f32 v43, v22  }
0x2b7: {  	v49 =	vld.idx.msk [tilespmem:v44+s14+$0x0], $0xffff  }
0x2b8: {  	v50 =	vor.u32 $0x1A, v33;
	v2 =	vadd.f32 v3, v2;
	v3 =	vmul.f32 v45, v23  }
0x2b9: {  	v51 =	vld.idx.msk [tilespmem:v46+s14+$0x0], $0xffff  }
0x2ba: {  	v52 =	vor.u32 $0x1B, v33;
	v2 =	vadd.f32 v3, v2;
	v3 =	vmul.f32 v47, v24  }
0x2bb: {  	v53 =	vld.idx.msk [tilespmem:v48+s14+$0x0], $0xffff  }
0x2bc: {  	v54 =	vor.u32 $0x1C, v33;
	v2 =	vadd.f32 v3, v2;
	v3 =	vmul.f32 v49, v25  }
0x2bd: {  	v55 =	vld.idx.msk [tilespmem:v50+s14+$0x0], $0xffff  }
0x2be: {  	v56 =	vor.u32 $0x1D, v33;
	v2 =	vadd.f32 v3, v2;
	v3 =	vmul.f32 v51, v26  }
0x2bf: {  	v57 =	vld.idx.msk [tilespmem:v52+s14+$0x0], $0xffff  }
0x2c0: {  	v58 =	vor.u32 $0x1E, v33;
	v2 =	vadd.f32 v3, v2;
	v3 =	vmul.f32 v53, v27  }
0x2c1: {  	v59 =	vld.idx.msk [tilespmem:v54+s14+$0x0], $0xffff  }
0x2c2: {  	v60 =	vor.u32 $0x1F, v33;
	v2 =	vadd.f32 v3, v2;
	v3 =	vmul.f32 v55, v28  }
0x2c3: {  	v61 =	vld.idx.msk [tilespmem:v56+s14+$0x0], $0xffff  }
0x2c4: {  	v2 =	vadd.f32 v3, v2;
	v3 =	vmul.f32 v57, v29  }
0x2c5: {  	v62 =	vld.idx.msk [tilespmem:v58+s14+$0x0], $0xffff  }
0x2c6: {  	v2 =	vadd.f32 v3, v2;
	v3 =	vmul.f32 v59, v30  }
0x2c7: {  	v63 =	vld.idx.msk [tilespmem:v60+s14+$0x0], $0xffff  }
0x2c8: {  	v2 =	vadd.f32 v3, v2;
	v3 =	vmul.f32 v61, v31;
	_ =	sdelay $0x1  }
0x2c9: {  	v2 =	vadd.f32 v3, v2;
	v3 =	vmul.f32 v62, v32;
	_ =	sdelay $0x1  }
0x2ca: {  	v1 =	vmul.f32 v63, v1;
	v2 =	vadd.f32 v3, v2;
	_ =	sdelay $0x1  }
0x2cb: {  	s16 =	sadd.s32 $0x1, s16;
	v1 =	vadd.f32 v1, v2  }
0x2cc: {  	p0 =	sne.s32 s16, s9  }
.Ltmp4:
0x2cd: {  	s0 =	simm.s32 $0x10480;
	[tilespmem:s31+$0x0] =	vst v1;
	(pc) =	sbr.rel @p0 .LBB2_1-.Ltmp4, $4  }
0x2ce: {  	[hbm4b:s8+s1] =	stream.linear.scatter [tilespmem:s0], [sflag:$0x2], $0x200, $0x38;
	[tilespmem:$0x10680] =	vst v63  }
0x2cf: {  	_ =	swait.ge [sflag:s10], $0x200  }
0x2d0: {  	[sflag:s10] =	ssyncset.done $0x0  }
0x2d1: {  	[sflag:s10] =	ssyncadd.s32 $0xFFFFFE00  }
0x2d2: {  	_ =	sfence.sel $0x180000  }
0x2d3: {  	[bflag:$0x0] =	sbarrier.arrive $0xFFFF  }
0x2d4: {  	_ =	strace $0x90000047  }
0x2d5: {  	s0 =	stileid.u32;
	[bflag:$0x2] =	sbarrier.arrive $0xFFFF  }
0x2d6: {  	p0 =	sne.s32 s0, $0x0;
	s0 =	rddreg [dreg:$0x4]  }
0x2d7: {  	s0 =	sadd.s32 @!p0 $0x100000, s0  }
0x2d8: {  	[sflag:s0] =	ssyncadd.tile.s32 @!p0 $0x1;
	_ =	shalt  }
.Lfunc_end2:
_tile_overlayer_lowered:
.L_overlay_start_2:
0x2d9: {  	(tag) =	ssettag $0x2  }
0x2da: {  	s0 =	rddreg [dreg:$0x0];
	s2 =	stileid.u32  }
0x2db: {  	s1 =	rddreg [dreg:$0x1];
	p0 =	sne.s32 s2, $0x0  }
0x2dc: {  	s3 =	rddreg [dreg:$0x2];
	[bflag:$0x3] =	sbarrier.arrive $0xFFFF;
	s2 =	simm.s32 @!p0 $0x1C02  }
0x2dd: {  	[timem:s3], [sflag:s2] =	dma.local @!p0 [hbm:s0], s1  }
0x2de: {  	s0 =	simm.s32 @!p0 $0x2  }
0x2df: {  	_ =	swait.ge @!p0 [sflag:s0], s1  }
0x2e0: {  	s1 =	ssub.s32 @!p0 $0x0, s1;
	[sflag:s0] =	ssyncset.done @!p0 $0x0  }
0x2e1: {  	[sflag:s0] =	ssyncadd.s32 @!p0 s1  }
0x2e2: {  	[bflag:$0x3] =	sbarrier.arrive $0xFFFF  }
0x2e3: {  	_ =	shalt  }

</sc_bundles>
